<compile_context>
chip_gen: v7x
topology: tpu7x:2x2x1
jax: 0.10.2.dev20260603
libtpu: 0.0.44.dev20260713+nightly
codegen_flags: <defaults>
</compile_context>

<pallas_src>
import functools

import jax
import jax.numpy as jnp
from jax import lax
from jax.experimental import pallas as pl
from jax.experimental.pallas import tpu as pltpu
from jax.experimental.pallas import tpu_sc as plsc

N = 10000
E = 320000
D = 128
H = 32

NC = 2
NS = 16
CH = 128
CH2 = 256
RPT = 624
RPT_LAST = N - 15 * RPT

EPT1 = E // NS
NF1 = EPT1 // CH
TAIL1 = EPT1 - NF1 * CH

EPT2 = E // (NC * NS)
NF2 = EPT2 // CH2
TAIL2 = EPT2 - NF2 * CH2


def _zero_accum(zeros_hbm, accum, s):
    row0 = pl.multiple_of(s * RPT, 8)

    @pl.when(s < NS - 1)
    def _():
        pltpu.sync_copy(zeros_hbm.at[pl.ds(row0, RPT)],
                        accum.at[pl.ds(row0, RPT)])

    @pl.when(s == NS - 1)
    def _():
        pltpu.sync_copy(zeros_hbm.at[pl.ds(row0, RPT_LAST)],
                        accum.at[pl.ds(row0, RPT_LAST)])


def _readout(accum, out_hbm, s, col0, W):
    row0 = pl.multiple_of(s * RPT, 8)
    c0 = pl.multiple_of(col0, 8)

    @pl.when(s < NS - 1)
    def _():
        pltpu.sync_copy(accum.at[pl.ds(row0, RPT)],
                        out_hbm.at[pl.ds(row0, RPT), pl.ds(c0, W)])

    @pl.when(s == NS - 1)
    def _():
        pltpu.sync_copy(accum.at[pl.ds(row0, RPT_LAST)],
                        out_hbm.at[pl.ds(row0, RPT_LAST), pl.ds(c0, W)])


def _edge_loop(y_hbm, src2d, dst2d, accum, rows, semg, sems, nf):
    def issue_gather(j, b):
        pltpu.async_copy(y_hbm.at[src2d.at[j]], rows[b], semg[b])

    def wait_gather(j, b):
        pltpu.make_async_copy(y_hbm.at[src2d.at[j]], rows[b], semg[b]).wait()

    def issue_scatter(j, b):
        pltpu.async_copy(rows[b], accum.at[dst2d.at[j]], sems[b], add=True)

    def wait_scatter(j, b):
        pltpu.make_async_copy(rows[b], accum.at[dst2d.at[j]],
                              sems[b]).wait()

    issue_gather(0, 0)
    issue_gather(1, 1)

    def body(jj, carry):
        for b in (0, 1, 2):
            j = 3 * jj + b
            wait_gather(j, b)

            @pl.when(j + 2 < nf)
            def _():
                @pl.when(j >= 1)
                def _():
                    wait_scatter(j - 1, (b + 2) % 3)
                issue_gather(j + 2, (b + 2) % 3)

            issue_scatter(j, b)
        return carry

    lax.fori_loop(0, nf // 3, body, 0)

    for b in (0, 1, 2):
        wait_scatter(nf - 3 + b, b)


def _edge_loop2(y_hbm, src2d, dst2d, accum, rows, semg, sems, nf):
    def issue_gather(j, b):
        pltpu.async_copy(y_hbm.at[src2d.at[j]], rows[b], semg[b])

    def wait_gather(j, b):
        pltpu.make_async_copy(y_hbm.at[src2d.at[j]], rows[b], semg[b]).wait()

    def issue_scatter(j, b):
        pltpu.async_copy(rows[b], accum.at[dst2d.at[j]], sems[b], add=True)

    def wait_scatter(j, b):
        pltpu.make_async_copy(rows[b], accum.at[dst2d.at[j]],
                              sems[b]).wait()

    issue_gather(0, 0)

    def body(jj, carry):
        for b in (0, 1):
            j = 2 * jj + b
            wait_gather(j, b)

            @pl.when(j + 1 < nf)
            def _():
                @pl.when(j >= 1)
                def _():
                    wait_scatter(j - 1, 1 - b)
                issue_gather(j + 1, 1 - b)

            issue_scatter(j, b)
        return carry

    lax.fori_loop(0, nf // 2, body, 0)

    wait_scatter(nf - 2, nf % 2)
    wait_scatter(nf - 1, 1 - nf % 2)


def _tail_chunk(y_hbm, src_hbm, dst_hbm, accum, srcv_t, dstv_t, rows_t, sem,
                src_off, dst_off):
    pltpu.sync_copy(src_hbm.at[pl.ds(src_off, srcv_t.shape[0])], srcv_t)
    pltpu.sync_copy(dst_hbm.at[pl.ds(dst_off, dstv_t.shape[0])], dstv_t)
    pltpu.async_copy(y_hbm.at[srcv_t], rows_t, sem).wait()
    pltpu.sync_copy(rows_t, accum.at[dstv_t], add=True)


def _sc_scratch(W, nf, tail, ch, nbuf):
    return (
        [pltpu.VMEM((nf, ch), jnp.int32)] * 2
        + [pltpu.VMEM((ch, W), jnp.float32)] * nbuf
        + [
            pltpu.VMEM((tail,), jnp.int32),
            pltpu.VMEM((tail,), jnp.int32),
            pltpu.VMEM((tail, W), jnp.float32),
            pltpu.VMEM_SHARED((N, W), jnp.float32),
            pltpu.SemaphoreType.DMA,
        ]
        + [pltpu.SemaphoreType.DMA] * nbuf
        + [pltpu.SemaphoreType.DMA] * nbuf
    )


_MESH = plsc.VectorSubcoreMesh(core_axis_name="c", subcore_axis_name="s")
_SC_PARAMS = pltpu.CompilerParams(use_tc_tiling_on_sc=False)


@functools.partial(
    pl.kernel,
    out_type=jax.ShapeDtypeStruct((N, D), jnp.float32),
    mesh=_MESH,
    scratch_types=_sc_scratch(D // 2, NF1, TAIL1, CH, 3),
    compiler_params=_SC_PARAMS,
)
def _sc_agg1(y_hbm, src3d_hbm, dst3d_hbm, src_hbm, dst_hbm, zeros_hbm,
             out_hbm, src2d, dst2d, r0, r1, r2, srcv_t, dstv_t, rows_t,
             accum, semi, sg0, sg1, sg2, ss0, ss1, ss2):
    c = lax.axis_index("c")
    s = lax.axis_index("s")
    pltpu.async_copy(src3d_hbm.at[c * NS + s], src2d, semi)
    pltpu.async_copy(dst3d_hbm.at[s], dst2d, semi)
    _zero_accum(zeros_hbm, accum, s)
    plsc.subcore_barrier()
    pltpu.make_async_copy(src3d_hbm.at[0], src2d, semi).wait()
    pltpu.make_async_copy(dst3d_hbm.at[0], dst2d, semi).wait()
    _edge_loop(y_hbm, src2d, dst2d, accum, (r0, r1, r2),
               (sg0, sg1, sg2), (ss0, ss1, ss2), NF1)
    _tail_chunk(y_hbm, src_hbm, dst_hbm, accum, srcv_t, dstv_t, rows_t, sg0,
                pl.multiple_of(c * E + s * EPT1 + NF1 * CH, 8),
                pl.multiple_of(s * EPT1 + NF1 * CH, 8))
    plsc.subcore_barrier()
    _readout(accum, out_hbm, s, c * (D // 2), D // 2)


@functools.partial(
    pl.kernel,
    out_type=jax.ShapeDtypeStruct((N, D), jnp.float32),
    mesh=_MESH,
    scratch_types=_sc_scratch(H, NF2, TAIL2, CH2, 3),
    compiler_params=_SC_PARAMS,
)
def _sc_agg2(y_hbm, src3d_hbm, dst3d_hbm, src_hbm, dst_hbm, zeros_hbm,
             out_hbm, src2d, dst2d, r0, r1, r2, srcv_t, dstv_t, rows_t,
             accum, semi, sg0, sg1, sg2, ss0, ss1, ss2):
    c = lax.axis_index("c")
    s = lax.axis_index("s")
    w = c * NS + s
    pltpu.async_copy(src3d_hbm.at[w], src2d, semi)
    pltpu.async_copy(dst3d_hbm.at[w], dst2d, semi)
    _zero_accum(zeros_hbm, accum, s)
    plsc.subcore_barrier()
    pltpu.make_async_copy(src3d_hbm.at[0], src2d, semi).wait()
    pltpu.make_async_copy(dst3d_hbm.at[0], dst2d, semi).wait()
    _edge_loop(y_hbm, src2d, dst2d, accum, (r0, r1, r2),
               (sg0, sg1, sg2), (ss0, ss1, ss2), NF2)
    _tail_chunk(y_hbm, src_hbm, dst_hbm, accum, srcv_t, dstv_t, rows_t, sg0,
                pl.multiple_of(w * EPT2 + NF2 * CH2, 8),
                pl.multiple_of(w * EPT2 + NF2 * CH2, 8))
    plsc.subcore_barrier()
    _readout(accum, out_hbm, s, c * H, H)


def _tc_conv1(x, agg, W1a, b1a, W1b, b1b):
    def body(x_ref, agg_ref, wa_ref, ba_ref, wb_ref, bb_ref, o_ref):
        h = x_ref[...] + agg_ref[...]
        u = jnp.maximum(jnp.dot(h, wa_ref[...],
                                preferred_element_type=jnp.float32)
                        + ba_ref[...], 0.0)
        v = jnp.dot(u, wb_ref[...], preferred_element_type=jnp.float32)
        o_ref[...] = jnp.maximum(v + bb_ref[...], 0.0)
    return pl.pallas_call(
        body, out_shape=jax.ShapeDtypeStruct((N, H), jnp.float32))(
            x, agg, W1a, b1a.reshape(1, H), W1b, b1b.reshape(1, H))


def _tc_conv2(h1, parts2, W2a, b2a, W2b, b2b, Wf, bf):
    def body(h_ref, p_ref, wa_ref, ba_ref, wb_ref, bb_ref,
             wf_ref, bf_ref, o_ref):
        p = p_ref[...]
        g = h_ref[...] + (p[:, :H] + p[:, H:2 * H])
        u = jnp.maximum(jnp.dot(g, wa_ref[...],
                                preferred_element_type=jnp.float32)
                        + ba_ref[...], 0.0)
        v = jnp.dot(u, wb_ref[...], preferred_element_type=jnp.float32)
        h2 = jnp.maximum(v + bb_ref[...], 0.0)
        o_ref[...] = jnp.dot(h2, wf_ref[...],
                             preferred_element_type=jnp.float32) + bf_ref[...]
    return pl.pallas_call(
        body, out_shape=jax.ShapeDtypeStruct((N, 1), jnp.float32))(
            h1, parts2, W2a, b2a.reshape(1, H), W2b, b2b.reshape(1, H),
            Wf, bf.reshape(1, 1))


def kernel(x, edge_index, W1a, b1a, W1b, b1b, W2a, b2a, W2b, b2b, Wf, bf):
    src = edge_index[0]
    dst = edge_index[1]
    x2 = x.reshape(2 * N, D // 2)
    src_eo = jnp.concatenate([src * 2, src * 2 + 1])
    zeros_d = jnp.zeros((N, D // 2), jnp.float32)
    zeros_h = jnp.zeros((N, H), jnp.float32)

    src3d_1 = src_eo.reshape(NC * NS, EPT1)[:, :NF1 * CH].reshape(
        NC * NS, NF1, CH)
    dst3d_1 = dst.reshape(NS, EPT1)[:, :NF1 * CH].reshape(NS, NF1, CH)
    src3d_2 = src.reshape(NC * NS, EPT2)[:, :NF2 * CH2].reshape(
        NC * NS, NF2, CH2)
    dst3d_2 = dst.reshape(NC * NS, EPT2)[:, :NF2 * CH2].reshape(
        NC * NS, NF2, CH2)

    agg1 = _sc_agg1(x2, src3d_1, dst3d_1, src_eo, dst, zeros_d)
    h1 = _tc_conv1(x, agg1, W1a, b1a, W1b, b1b)
    parts2 = _sc_agg2(h1, src3d_2, dst3d_2, src, dst, zeros_h)
    return _tc_conv2(h1, parts2, W2a, b2a, W2b, b2b, Wf, bf)

# --- scband reference (transcript-rebuilt; emitter-appended) ---
"""Pipeline reference for scband-ginmodel-47631187313296 (READ-ONLY COPY).

The authoritative reference and input builder live on the scoring server;
editing this copy changes nothing except your own understanding.
"""

import jax, jax.numpy as jnp
import numpy as np

N = 10000
E = 320000
D = 128
H = 32


def setup_inputs(seed: int = 0) -> dict:
    key = jax.random.key(seed)
    ks = jax.random.split(key, 13)
    x = jax.random.normal(ks[0], (N, D), dtype=jnp.float32)
    edge_index = jax.random.randint(ks[1], (2, E), 0, N, dtype=jnp.int32)
    # conv1 MLP: Linear(D,32) -> ReLU -> Linear(32,32)
    W1a = jax.random.normal(ks[2], (D, H), dtype=jnp.float32) * (1.0 / np.sqrt(D))
    b1a = jnp.zeros((H,), dtype=jnp.float32)
    W1b = jax.random.normal(ks[3], (H, H), dtype=jnp.float32) * (1.0 / np.sqrt(H))
    b1b = jnp.zeros((H,), dtype=jnp.float32)
    # conv2 MLP: Linear(32,32) -> ReLU -> Linear(32,32)
    W2a = jax.random.normal(ks[4], (H, H), dtype=jnp.float32) * (1.0 / np.sqrt(H))
    b2a = jnp.zeros((H,), dtype=jnp.float32)
    W2b = jax.random.normal(ks[5], (H, H), dtype=jnp.float32) * (1.0 / np.sqrt(H))
    b2b = jnp.zeros((H,), dtype=jnp.float32)
    # final fc: Linear(32,1)
    Wf = jax.random.normal(ks[6], (H, 1), dtype=jnp.float32) * (1.0 / np.sqrt(H))
    bf = jnp.zeros((1,), dtype=jnp.float32)
    return {"x": x, "edge_index": edge_index, "W1a": W1a, "b1a": b1a, "W1b": W1b, "b1b": b1b,
            "W2a": W2a, "b2a": b2a, "W2b": W2b, "b2b": b2b, "Wf": Wf, "bf": bf}


def _gin_conv(x, edge_index, Wa, ba, Wb, bb):
    # PyG GINConv with eps=0 (default, train_eps=False):
    # out_i = MLP( (1+eps)*x_i + sum_{j in N(i)} x_j )
    src = edge_index[0]
    dst = edge_index[1]
    msgs = jnp.take(x, src, axis=0)                      # gather source node features
    agg = jax.ops.segment_sum(msgs, dst, num_segments=x.shape[0])  # scatter-add to dst
    h = x + agg                                          # (1 + eps) * x + agg, eps = 0
    h = jnp.maximum(h @ Wa + ba, 0.0)
    h = h @ Wb + bb
    return h


def reference(x, edge_index, W1a, b1a, W1b, b1b, W2a, b2a, W2b, b2b, Wf, bf):
    h = jnp.maximum(_gin_conv(x, edge_index, W1a, b1a, W1b, b1b), 0.0)
    h = jnp.maximum(_gin_conv(h, edge_index, W2a, b2a, W2b, b2b), 0.0)
    return h @ Wf + bf

if __name__ == "__main__":
    import jax
    _d = setup_inputs()
    print(jax.jit(kernel)(*tuple(_d.values())))

</pallas_src>

<mosaic_0001>
#map = affine_map<(d0, d1) -> (0, 0)>
#map1 = affine_map<(d0, d1) -> (0, 0, 0)>
#map2 = affine_map<(d0, d1) -> (0)>
module attributes {stable_mosaic.version = 14 : i64} {
  func.func @_sc_agg1(%arg0: i32, %arg1: i32, %arg2: memref<20000x64xf32, #tpu.memory_space<hbm>>, %arg3: memref<32x156x128xi32, #tpu.memory_space<hbm>>, %arg4: memref<16x156x128xi32, #tpu.memory_space<hbm>>, %arg5: memref<640000xi32, #tpu.memory_space<hbm>>, %arg6: memref<320000xi32, #tpu.memory_space<hbm>>, %arg7: memref<10000x64xf32, #tpu.memory_space<hbm>>, %arg8: memref<10000x128xf32, #tpu.memory_space<hbm>>, %arg9: memref<156x128xi32, #tpu.memory_space<vmem>>, %arg10: memref<156x128xi32, #tpu.memory_space<vmem>>, %arg11: memref<128x64xf32, #tpu.memory_space<vmem>>, %arg12: memref<128x64xf32, #tpu.memory_space<vmem>>, %arg13: memref<128x64xf32, #tpu.memory_space<vmem>>, %arg14: memref<32xi32, #tpu.memory_space<vmem>>, %arg15: memref<32xi32, #tpu.memory_space<vmem>>, %arg16: memref<32x64xf32, #tpu.memory_space<vmem>>, %arg17: memref<10000x64xf32, #tpu.memory_space<vmem_shared>>, %arg18: memref<!tpu.dma_semaphore, #tpu.memory_space<semaphore_mem>>, %arg19: memref<!tpu.dma_semaphore, #tpu.memory_space<semaphore_mem>>, %arg20: memref<!tpu.dma_semaphore, #tpu.memory_space<semaphore_mem>>, %arg21: memref<!tpu.dma_semaphore, #tpu.memory_space<semaphore_mem>>, %arg22: memref<!tpu.dma_semaphore, #tpu.memory_space<semaphore_mem>>, %arg23: memref<!tpu.dma_semaphore, #tpu.memory_space<semaphore_mem>>, %arg24: memref<!tpu.dma_semaphore, #tpu.memory_space<semaphore_mem>>) attributes {dimension_semantics = [#tpu.dimension_semantics<core_parallel>, #tpu.dimension_semantics<subcore_parallel>], iteration_bounds = array<i64: 2, 16>, scalar_prefetch = 0 : i64, scratch_operands = 16 : i64, tpu.core_type = #tpu.core_type<sc_vector_subcore>, window_params = [{transform_indices = #map}, {transform_indices = #map1}, {transform_indices = #map1}, {transform_indices = #map2}, {transform_indices = #map2}, {transform_indices = #map}, {transform_indices = #map}]} {
    %mul3A = arith.constant 16 : i32
    %mul3A_0 = arith.muli %arg0, %mul3A : i32
    %add3A = arith.addi %mul3A_0, %arg1 : i32
    %dma_start3A = arith.constant 0 : i32
    %dma_start3A_1 = arith.constant 0 : i32
    %dma_start3A_2 = tpu.memref_slice %arg3[%add3A, %dma_start3A, %dma_start3A_1] : memref<32x156x128xi32, #tpu.memory_space<hbm>> -> memref<1x156x128xi32, #tpu.memory_space<hbm>>
    %dma_start3A_3 = tpu.memref_squeeze %dma_start3A_2 : memref<1x156x128xi32, #tpu.memory_space<hbm>> -> memref<156x128xi32, #tpu.memory_space<hbm>>
    %dma_start3A_4 = arith.constant 0 : i32
    %dma_start3A_5 = arith.constant 0 : i32
    %dma_start3A_6 = tpu.memref_slice %arg3[%add3A, %dma_start3A_4, %dma_start3A_5] : memref<32x156x128xi32, #tpu.memory_space<hbm>> -> memref<1x156x128xi32, #tpu.memory_space<hbm>>
    %dma_start3A_7 = tpu.memref_squeeze %dma_start3A_6 : memref<1x156x128xi32, #tpu.memory_space<hbm>> -> memref<156x128xi32, #tpu.memory_space<hbm>>
    tpu.enqueue_dma source(%dma_start3A_7 : memref<156x128xi32, #tpu.memory_space<hbm>>) target(%arg9 : memref<156x128xi32, #tpu.memory_space<vmem>>) target_semaphore(%arg18 : memref<!tpu.dma_semaphore, #tpu.memory_space<semaphore_mem>>)
    %dma_start3A_8 = arith.constant 0 : i32
    %dma_start3A_9 = arith.constant 0 : i32
    %dma_start3A_10 = tpu.memref_slice %arg4[%arg1, %dma_start3A_8, %dma_start3A_9] : memref<16x156x128xi32, #tpu.memory_space<hbm>> -> memref<1x156x128xi32, #tpu.memory_space<hbm>>
    %dma_start3A_11 = tpu.memref_squeeze %dma_start3A_10 : memref<1x156x128xi32, #tpu.memory_space<hbm>> -> memref<156x128xi32, #tpu.memory_space<hbm>>
    %dma_start3A_12 = arith.constant 0 : i32
    %dma_start3A_13 = arith.constant 0 : i32
    %dma_start3A_14 = tpu.memref_slice %arg4[%arg1, %dma_start3A_12, %dma_start3A_13] : memref<16x156x128xi32, #tpu.memory_space<hbm>> -> memref<1x156x128xi32, #tpu.memory_space<hbm>>
    %dma_start3A_15 = tpu.memref_squeeze %dma_start3A_14 : memref<1x156x128xi32, #tpu.memory_space<hbm>> -> memref<156x128xi32, #tpu.memory_space<hbm>>
    tpu.enqueue_dma source(%dma_start3A_15 : memref<156x128xi32, #tpu.memory_space<hbm>>) target(%arg10 : memref<156x128xi32, #tpu.memory_space<vmem>>) target_semaphore(%arg18 : memref<!tpu.dma_semaphore, #tpu.memory_space<semaphore_mem>>)
    %mul3A_16 = arith.constant 624 : i32
    %mul3A_17 = arith.muli %arg1, %mul3A_16 : i32
    %multiple_of3A = tpu.assume_multiple %mul3A_17, 8 : i32
    %lt3A = arith.constant 15 : i32
    %lt3A_18 = arith.cmpi slt, %arg1, %lt3A : i32
    %convert_element_type3A = arith.extui %lt3A_18 : i1 to i32
    %cond3A = arith.constant 0 : i32
    %cond3A_19 = arith.cmpi ne, %convert_element_type3A, %cond3A : i32
    scf.if %cond3A_19 {
      "tpu.region"() ({
        %run_scoped3A = tpu.sem_alloc : memref<!tpu.dma_semaphore, #tpu.memory_space<semaphore_mem>>
        %dma_start3A_117 = arith.constant 0 : i32
        %dma_start3A_118 = tpu.memref_slice %arg17[%multiple_of3A, %dma_start3A_117] : memref<10000x64xf32, #tpu.memory_space<vmem_shared>> -> memref<624x64xf32, #tpu.memory_space<vmem_shared>>
        %dma_start3A_119 = arith.constant 0 : i32
        %dma_start3A_120 = tpu.memref_slice %arg7[%multiple_of3A, %dma_start3A_119] : memref<10000x64xf32, #tpu.memory_space<hbm>> -> memref<624x64xf32, #tpu.memory_space<hbm>>
        tpu.enqueue_dma source(%dma_start3A_120 : memref<624x64xf32, #tpu.memory_space<hbm>>) target(%dma_start3A_118 : memref<624x64xf32, #tpu.memory_space<vmem_shared>>) target_semaphore(%run_scoped3A : memref<!tpu.dma_semaphore, #tpu.memory_space<semaphore_mem>>)
        %dma_wait3A_121 = arith.constant 0 : i32
        %dma_wait3A_122 = tpu.memref_slice %arg17[%multiple_of3A, %dma_wait3A_121] : memref<10000x64xf32, #tpu.memory_space<vmem_shared>> -> memref<624x64xf32, #tpu.memory_space<vmem_shared>>
        %dma_wait3A_123 = arith.constant 0 : i32
        %dma_wait3A_124 = tpu.memref_slice %arg7[%multiple_of3A, %dma_wait3A_123] : memref<10000x64xf32, #tpu.memory_space<hbm>> -> memref<624x64xf32, #tpu.memory_space<hbm>>
        tpu.wait_dma2 semaphore(%run_scoped3A : memref<!tpu.dma_semaphore, #tpu.memory_space<semaphore_mem>>) src(%dma_wait3A_124 : memref<624x64xf32, #tpu.memory_space<hbm>>) dst(%dma_wait3A_122 : memref<624x64xf32, #tpu.memory_space<vmem_shared>>)
        tpu.yield
      }) : () -> ()
    } else {
    }
    %eq3A = arith.constant 15 : i32
    %eq3A_20 = arith.cmpi eq, %arg1, %eq3A : i32
    %convert_element_type3A_21 = arith.extui %eq3A_20 : i1 to i32
    %cond3A_22 = arith.constant 0 : i32
    %cond3A_23 = arith.cmpi ne, %convert_element_type3A_21, %cond3A_22 : i32
    scf.if %cond3A_23 {
      "tpu.region"() ({
        %run_scoped3A = tpu.sem_alloc : memref<!tpu.dma_semaphore, #tpu.memory_space<semaphore_mem>>
        %dma_start3A_117 = arith.constant 0 : i32
        %dma_start3A_118 = tpu.memref_slice %arg17[%multiple_of3A, %dma_start3A_117] : memref<10000x64xf32, #tpu.memory_space<vmem_shared>> -> memref<640x64xf32, #tpu.memory_space<vmem_shared>>
        %dma_start3A_119 = arith.constant 0 : i32
        %dma_start3A_120 = tpu.memref_slice %arg7[%multiple_of3A, %dma_start3A_119] : memref<10000x64xf32, #tpu.memory_space<hbm>> -> memref<640x64xf32, #tpu.memory_space<hbm>>
        tpu.enqueue_dma source(%dma_start3A_120 : memref<640x64xf32, #tpu.memory_space<hbm>>) target(%dma_start3A_118 : memref<640x64xf32, #tpu.memory_space<vmem_shared>>) target_semaphore(%run_scoped3A : memref<!tpu.dma_semaphore, #tpu.memory_space<semaphore_mem>>)
        %dma_wait3A_121 = arith.constant 0 : i32
        %dma_wait3A_122 = tpu.memref_slice %arg17[%multiple_of3A, %dma_wait3A_121] : memref<10000x64xf32, #tpu.memory_space<vmem_shared>> -> memref<640x64xf32, #tpu.memory_space<vmem_shared>>
        %dma_wait3A_123 = arith.constant 0 : i32
        %dma_wait3A_124 = tpu.memref_slice %arg7[%multiple_of3A, %dma_wait3A_123] : memref<10000x64xf32, #tpu.memory_space<hbm>> -> memref<640x64xf32, #tpu.memory_space<hbm>>
        tpu.wait_dma2 semaphore(%run_scoped3A : memref<!tpu.dma_semaphore, #tpu.memory_space<semaphore_mem>>) src(%dma_wait3A_124 : memref<640x64xf32, #tpu.memory_space<hbm>>) dst(%dma_wait3A_122 : memref<640x64xf32, #tpu.memory_space<vmem_shared>>)
        tpu.yield
      }) : () -> ()
    } else {
    }
    %barrier3A = arith.constant 0 : index
    tpu.barrier barrier_id(%barrier3A)
    %dma_wait3A = arith.constant 0 : i32
    %dma_wait3A_24 = arith.constant 0 : i32
    %dma_wait3A_25 = arith.constant 0 : i32
    %dma_wait3A_26 = tpu.memref_slice %arg3[%dma_wait3A, %dma_wait3A_24, %dma_wait3A_25] : memref<32x156x128xi32, #tpu.memory_space<hbm>> -> memref<1x156x128xi32, #tpu.memory_space<hbm>>
    %dma_wait3A_27 = tpu.memref_squeeze %dma_wait3A_26 : memref<1x156x128xi32, #tpu.memory_space<hbm>> -> memref<156x128xi32, #tpu.memory_space<hbm>>
    %dma_wait3A_28 = arith.constant 0 : i32
    %dma_wait3A_29 = arith.constant 0 : i32
    %dma_wait3A_30 = tpu.memref_slice %arg3[%dma_wait3A, %dma_wait3A_28, %dma_wait3A_29] : memref<32x156x128xi32, #tpu.memory_space<hbm>> -> memref<1x156x128xi32, #tpu.memory_space<hbm>>
    %dma_wait3A_31 = tpu.memref_squeeze %dma_wait3A_30 : memref<1x156x128xi32, #tpu.memory_space<hbm>> -> memref<156x128xi32, #tpu.memory_space<hbm>>
    tpu.wait_dma2 semaphore(%arg18 : memref<!tpu.dma_semaphore, #tpu.memory_space<semaphore_mem>>) src(%dma_wait3A_31 : memref<156x128xi32, #tpu.memory_space<hbm>>) dst(%arg9 : memref<156x128xi32, #tpu.memory_space<vmem>>)
    %dma_wait3A_32 = arith.constant 0 : i32
    %dma_wait3A_33 = arith.constant 0 : i32
    %dma_wait3A_34 = arith.constant 0 : i32
    %dma_wait3A_35 = tpu.memref_slice %arg4[%dma_wait3A_32, %dma_wait3A_33, %dma_wait3A_34] : memref<16x156x128xi32, #tpu.memory_space<hbm>> -> memref<1x156x128xi32, #tpu.memory_space<hbm>>
    %dma_wait3A_36 = tpu.memref_squeeze %dma_wait3A_35 : memref<1x156x128xi32, #tpu.memory_space<hbm>> -> memref<156x128xi32, #tpu.memory_space<hbm>>
    %dma_wait3A_37 = arith.constant 0 : i32
    %dma_wait3A_38 = arith.constant 0 : i32
    %dma_wait3A_39 = tpu.memref_slice %arg4[%dma_wait3A_32, %dma_wait3A_37, %dma_wait3A_38] : memref<16x156x128xi32, #tpu.memory_space<hbm>> -> memref<1x156x128xi32, #tpu.memory_space<hbm>>
    %dma_wait3A_40 = tpu.memref_squeeze %dma_wait3A_39 : memref<1x156x128xi32, #tpu.memory_space<hbm>> -> memref<156x128xi32, #tpu.memory_space<hbm>>
    tpu.wait_dma2 semaphore(%arg18 : memref<!tpu.dma_semaphore, #tpu.memory_space<semaphore_mem>>) src(%dma_wait3A_40 : memref<156x128xi32, #tpu.memory_space<hbm>>) dst(%arg10 : memref<156x128xi32, #tpu.memory_space<vmem>>)
    %dma_start3A_41 = arith.constant 0 : i32
    %dma_start3A_42 = arith.constant 0 : i32
    %dma_start3A_43 = tpu.memref_slice %arg9[%dma_start3A_41, %dma_start3A_42] : memref<156x128xi32, #tpu.memory_space<vmem>> -> memref<1x128xi32, #tpu.memory_space<vmem>>
    %dma_start3A_44 = tpu.memref_squeeze %dma_start3A_43 : memref<1x128xi32, #tpu.memory_space<vmem>> -> memref<128xi32, #tpu.memory_space<vmem>>
    %dma_start3A_45 = arith.constant 0 : i32
    %dma_start3A_46 = arith.constant 0 : i32
    %dma_start3A_47 = tpu.memref_slice %arg2[%dma_start3A_45, %dma_start3A_46] : memref<20000x64xf32, #tpu.memory_space<hbm>> -> memref<20000x64xf32, #tpu.memory_space<hbm>>
    tpu.enqueue_indirect_dma source(%dma_start3A_47 : memref<20000x64xf32, #tpu.memory_space<hbm>>) target(%arg11 : memref<128x64xf32, #tpu.memory_space<vmem>>) offsets(%dma_start3A_44 : memref<128xi32, #tpu.memory_space<vmem>>) semaphore(%arg19 : memref<!tpu.dma_semaphore, #tpu.memory_space<semaphore_mem>>)
    %dma_start3A_48 = arith.constant 1 : i32
    %dma_start3A_49 = arith.constant 0 : i32
    %dma_start3A_50 = tpu.memref_slice %arg9[%dma_start3A_48, %dma_start3A_49] : memref<156x128xi32, #tpu.memory_space<vmem>> -> memref<1x128xi32, #tpu.memory_space<vmem>>
    %dma_start3A_51 = tpu.memref_squeeze %dma_start3A_50 : memref<1x128xi32, #tpu.memory_space<vmem>> -> memref<128xi32, #tpu.memory_space<vmem>>
    %dma_start3A_52 = arith.constant 0 : i32
    %dma_start3A_53 = arith.constant 0 : i32
    %dma_start3A_54 = tpu.memref_slice %arg2[%dma_start3A_52, %dma_start3A_53] : memref<20000x64xf32, #tpu.memory_space<hbm>> -> memref<20000x64xf32, #tpu.memory_space<hbm>>
    tpu.enqueue_indirect_dma source(%dma_start3A_54 : memref<20000x64xf32, #tpu.memory_space<hbm>>) target(%arg12 : memref<128x64xf32, #tpu.memory_space<vmem>>) offsets(%dma_start3A_51 : memref<128xi32, #tpu.memory_space<vmem>>) semaphore(%arg20 : memref<!tpu.dma_semaphore, #tpu.memory_space<semaphore_mem>>)
    %scan3A = arith.constant 0 : i32
    %scan3A_55 = arith.constant 0 : i32
    %scan3A_56 = arith.constant 52 : i32
    %scan3A_57 = arith.addi %scan3A_55, %scan3A_56 : i32
    %scan3A_58 = arith.constant 1 : i32
    scf.for %scan3A_117 = %scan3A_55 to %scan3A_57 step %scan3A_58  : i32 {
      %mul3A_118 = arith.constant 3 : i32
      %mul3A_119 = arith.muli %mul3A_118, %scan3A_117 : i32
      %add3A_120 = arith.constant 0 : i32
      %add3A_121 = arith.addi %mul3A_119, %add3A_120 : i32
      %dma_wait3A_122 = arith.constant 0 : i32
      %dma_wait3A_123 = tpu.memref_slice %arg9[%add3A_121, %dma_wait3A_122] : memref<156x128xi32, #tpu.memory_space<vmem>> -> memref<1x128xi32, #tpu.memory_space<vmem>>
      %dma_wait3A_124 = tpu.memref_squeeze %dma_wait3A_123 : memref<1x128xi32, #tpu.memory_space<vmem>> -> memref<128xi32, #tpu.memory_space<vmem>>
      %dma_wait3A_125 = arith.constant 0 : i32
      %dma_wait3A_126 = arith.constant 0 : i32
      %dma_wait3A_127 = tpu.memref_slice %arg2[%dma_wait3A_125, %dma_wait3A_126] : memref<20000x64xf32, #tpu.memory_space<hbm>> -> memref<20000x64xf32, #tpu.memory_space<hbm>>
      tpu.wait_indirect_dma semaphore(%arg19 : memref<!tpu.dma_semaphore, #tpu.memory_space<semaphore_mem>>) src(%dma_wait3A_127 : memref<20000x64xf32, #tpu.memory_space<hbm>>) dst(%arg11 : memref<128x64xf32, #tpu.memory_space<vmem>>)
      %add3A_128 = arith.constant 2 : i32
      %add3A_129 = arith.addi %add3A_121, %add3A_128 : i32
      %lt3A_130 = arith.constant 156 : i32
      %lt3A_131 = arith.cmpi slt, %add3A_129, %lt3A_130 : i32
      %convert_element_type3A_132 = arith.extui %lt3A_131 : i1 to i32
      %cond3A_133 = arith.constant 0 : i32
      %cond3A_134 = arith.cmpi ne, %convert_element_type3A_132, %cond3A_133 : i32
      scf.if %cond3A_134 {
        %ge3A = arith.constant 1 : i32
        %ge3A_187 = arith.cmpi sge, %add3A_121, %ge3A : i32
        %convert_element_type3A_188 = arith.extui %ge3A_187 : i1 to i32
        %cond3A_189 = arith.constant 0 : i32
        %cond3A_190 = arith.cmpi ne, %convert_element_type3A_188, %cond3A_189 : i32
        scf.if %cond3A_190 {
          %sub3A = arith.constant 1 : i32
          %sub3A_199 = arith.subi %add3A_121, %sub3A : i32
          %dma_wait3A_200 = arith.constant 0 : i32
          %dma_wait3A_201 = tpu.memref_slice %arg10[%sub3A_199, %dma_wait3A_200] : memref<156x128xi32, #tpu.memory_space<vmem>> -> memref<1x128xi32, #tpu.memory_space<vmem>>
          %dma_wait3A_202 = tpu.memref_squeeze %dma_wait3A_201 : memref<1x128xi32, #tpu.memory_space<vmem>> -> memref<128xi32, #tpu.memory_space<vmem>>
          %dma_wait3A_203 = arith.constant 0 : i32
          %dma_wait3A_204 = arith.constant 0 : i32
          %dma_wait3A_205 = tpu.memref_slice %arg17[%dma_wait3A_203, %dma_wait3A_204] : memref<10000x64xf32, #tpu.memory_space<vmem_shared>> -> memref<10000x64xf32, #tpu.memory_space<vmem_shared>>
          tpu.wait_indirect_dma semaphore(%arg24 : memref<!tpu.dma_semaphore, #tpu.memory_space<semaphore_mem>>) src(%arg13 : memref<128x64xf32, #tpu.memory_space<vmem>>) dst(%dma_wait3A_205 : memref<10000x64xf32, #tpu.memory_space<vmem_shared>>)
        } else {
        }
        %add3A_191 = arith.constant 2 : i32
        %add3A_192 = arith.addi %add3A_121, %add3A_191 : i32
        %dma_start3A_193 = arith.constant 0 : i32
        %dma_start3A_194 = tpu.memref_slice %arg9[%add3A_192, %dma_start3A_193] : memref<156x128xi32, #tpu.memory_space<vmem>> -> memref<1x128xi32, #tpu.memory_space<vmem>>
        %dma_start3A_195 = tpu.memref_squeeze %dma_start3A_194 : memref<1x128xi32, #tpu.memory_space<vmem>> -> memref<128xi32, #tpu.memory_space<vmem>>
        %dma_start3A_196 = arith.constant 0 : i32
        %dma_start3A_197 = arith.constant 0 : i32
        %dma_start3A_198 = tpu.memref_slice %arg2[%dma_start3A_196, %dma_start3A_197] : memref<20000x64xf32, #tpu.memory_space<hbm>> -> memref<20000x64xf32, #tpu.memory_space<hbm>>
        tpu.enqueue_indirect_dma source(%dma_start3A_198 : memref<20000x64xf32, #tpu.memory_space<hbm>>) target(%arg13 : memref<128x64xf32, #tpu.memory_space<vmem>>) offsets(%dma_start3A_195 : memref<128xi32, #tpu.memory_space<vmem>>) semaphore(%arg21 : memref<!tpu.dma_semaphore, #tpu.memory_space<semaphore_mem>>)
      } else {
      }
      %dma_start3A_135 = arith.constant 0 : i32
      %dma_start3A_136 = tpu.memref_slice %arg10[%add3A_121, %dma_start3A_135] : memref<156x128xi32, #tpu.memory_space<vmem>> -> memref<1x128xi32, #tpu.memory_space<vmem>>
      %dma_start3A_137 = tpu.memref_squeeze %dma_start3A_136 : memref<1x128xi32, #tpu.memory_space<vmem>> -> memref<128xi32, #tpu.memory_space<vmem>>
      %dma_start3A_138 = arith.constant 0 : i32
      %dma_start3A_139 = arith.constant 0 : i32
      %dma_start3A_140 = tpu.memref_slice %arg17[%dma_start3A_138, %dma_start3A_139] : memref<10000x64xf32, #tpu.memory_space<vmem_shared>> -> memref<10000x64xf32, #tpu.memory_space<vmem_shared>>
      tpu.enqueue_indirect_dma source(%arg11 : memref<128x64xf32, #tpu.memory_space<vmem>>) target(%dma_start3A_140 : memref<10000x64xf32, #tpu.memory_space<vmem_shared>>) offsets(%dma_start3A_137 : memref<128xi32, #tpu.memory_space<vmem>>) semaphore(%arg22 : memref<!tpu.dma_semaphore, #tpu.memory_space<semaphore_mem>>) {add = true}
      %mul3A_141 = arith.constant 3 : i32
      %mul3A_142 = arith.muli %mul3A_141, %scan3A_117 : i32
      %add3A_143 = arith.constant 1 : i32
      %add3A_144 = arith.addi %mul3A_142, %add3A_143 : i32
      %dma_wait3A_145 = arith.constant 0 : i32
      %dma_wait3A_146 = tpu.memref_slice %arg9[%add3A_144, %dma_wait3A_145] : memref<156x128xi32, #tpu.memory_space<vmem>> -> memref<1x128xi32, #tpu.memory_space<vmem>>
      %dma_wait3A_147 = tpu.memref_squeeze %dma_wait3A_146 : memref<1x128xi32, #tpu.memory_space<vmem>> -> memref<128xi32, #tpu.memory_space<vmem>>
      %dma_wait3A_148 = arith.constant 0 : i32
      %dma_wait3A_149 = arith.constant 0 : i32
      %dma_wait3A_150 = tpu.memref_slice %arg2[%dma_wait3A_148, %dma_wait3A_149] : memref<20000x64xf32, #tpu.memory_space<hbm>> -> memref<20000x64xf32, #tpu.memory_space<hbm>>
      tpu.wait_indirect_dma semaphore(%arg20 : memref<!tpu.dma_semaphore, #tpu.memory_space<semaphore_mem>>) src(%dma_wait3A_150 : memref<20000x64xf32, #tpu.memory_space<hbm>>) dst(%arg12 : memref<128x64xf32, #tpu.memory_space<vmem>>)
      %add3A_151 = arith.constant 2 : i32
      %add3A_152 = arith.addi %add3A_144, %add3A_151 : i32
      %lt3A_153 = arith.constant 156 : i32
      %lt3A_154 = arith.cmpi slt, %add3A_152, %lt3A_153 : i32
      %convert_element_type3A_155 = arith.extui %lt3A_154 : i1 to i32
      %cond3A_156 = arith.constant 0 : i32
      %cond3A_157 = arith.cmpi ne, %convert_element_type3A_155, %cond3A_156 : i32
      scf.if %cond3A_157 {
        %ge3A = arith.constant 1 : i32
        %ge3A_187 = arith.cmpi sge, %add3A_144, %ge3A : i32
        %convert_element_type3A_188 = arith.extui %ge3A_187 : i1 to i32
        %cond3A_189 = arith.constant 0 : i32
        %cond3A_190 = arith.cmpi ne, %convert_element_type3A_188, %cond3A_189 : i32
        scf.if %cond3A_190 {
          %sub3A = arith.constant 1 : i32
          %sub3A_199 = arith.subi %add3A_144, %sub3A : i32
          %dma_wait3A_200 = arith.constant 0 : i32
          %dma_wait3A_201 = tpu.memref_slice %arg10[%sub3A_199, %dma_wait3A_200] : memref<156x128xi32, #tpu.memory_space<vmem>> -> memref<1x128xi32, #tpu.memory_space<vmem>>
          %dma_wait3A_202 = tpu.memref_squeeze %dma_wait3A_201 : memref<1x128xi32, #tpu.memory_space<vmem>> -> memref<128xi32, #tpu.memory_space<vmem>>
          %dma_wait3A_203 = arith.constant 0 : i32
          %dma_wait3A_204 = arith.constant 0 : i32
          %dma_wait3A_205 = tpu.memref_slice %arg17[%dma_wait3A_203, %dma_wait3A_204] : memref<10000x64xf32, #tpu.memory_space<vmem_shared>> -> memref<10000x64xf32, #tpu.memory_space<vmem_shared>>
          tpu.wait_indirect_dma semaphore(%arg22 : memref<!tpu.dma_semaphore, #tpu.memory_space<semaphore_mem>>) src(%arg11 : memref<128x64xf32, #tpu.memory_space<vmem>>) dst(%dma_wait3A_205 : memref<10000x64xf32, #tpu.memory_space<vmem_shared>>)
        } else {
        }
        %add3A_191 = arith.constant 2 : i32
        %add3A_192 = arith.addi %add3A_144, %add3A_191 : i32
        %dma_start3A_193 = arith.constant 0 : i32
        %dma_start3A_194 = tpu.memref_slice %arg9[%add3A_192, %dma_start3A_193] : memref<156x128xi32, #tpu.memory_space<vmem>> -> memref<1x128xi32, #tpu.memory_space<vmem>>
        %dma_start3A_195 = tpu.memref_squeeze %dma_start3A_194 : memref<1x128xi32, #tpu.memory_space<vmem>> -> memref<128xi32, #tpu.memory_space<vmem>>
        %dma_start3A_196 = arith.constant 0 : i32
        %dma_start3A_197 = arith.constant 0 : i32
        %dma_start3A_198 = tpu.memref_slice %arg2[%dma_start3A_196, %dma_start3A_197] : memref<20000x64xf32, #tpu.memory_space<hbm>> -> memref<20000x64xf32, #tpu.memory_space<hbm>>
        tpu.enqueue_indirect_dma source(%dma_start3A_198 : memref<20000x64xf32, #tpu.memory_space<hbm>>) target(%arg11 : memref<128x64xf32, #tpu.memory_space<vmem>>) offsets(%dma_start3A_195 : memref<128xi32, #tpu.memory_space<vmem>>) semaphore(%arg19 : memref<!tpu.dma_semaphore, #tpu.memory_space<semaphore_mem>>)
      } else {
      }
      %dma_start3A_158 = arith.constant 0 : i32
      %dma_start3A_159 = tpu.memref_slice %arg10[%add3A_144, %dma_start3A_158] : memref<156x128xi32, #tpu.memory_space<vmem>> -> memref<1x128xi32, #tpu.memory_space<vmem>>
      %dma_start3A_160 = tpu.memref_squeeze %dma_start3A_159 : memref<1x128xi32, #tpu.memory_space<vmem>> -> memref<128xi32, #tpu.memory_space<vmem>>
      %dma_start3A_161 = arith.constant 0 : i32
      %dma_start3A_162 = arith.constant 0 : i32
      %dma_start3A_163 = tpu.memref_slice %arg17[%dma_start3A_161, %dma_start3A_162] : memref<10000x64xf32, #tpu.memory_space<vmem_shared>> -> memref<10000x64xf32, #tpu.memory_space<vmem_shared>>
      tpu.enqueue_indirect_dma source(%arg12 : memref<128x64xf32, #tpu.memory_space<vmem>>) target(%dma_start3A_163 : memref<10000x64xf32, #tpu.memory_space<vmem_shared>>) offsets(%dma_start3A_160 : memref<128xi32, #tpu.memory_space<vmem>>) semaphore(%arg23 : memref<!tpu.dma_semaphore, #tpu.memory_space<semaphore_mem>>) {add = true}
      %mul3A_164 = arith.constant 3 : i32
      %mul3A_165 = arith.muli %mul3A_164, %scan3A_117 : i32
      %add3A_166 = arith.constant 2 : i32
      %add3A_167 = arith.addi %mul3A_165, %add3A_166 : i32
      %dma_wait3A_168 = arith.constant 0 : i32
      %dma_wait3A_169 = tpu.memref_slice %arg9[%add3A_167, %dma_wait3A_168] : memref<156x128xi32, #tpu.memory_space<vmem>> -> memref<1x128xi32, #tpu.memory_space<vmem>>
      %dma_wait3A_170 = tpu.memref_squeeze %dma_wait3A_169 : memref<1x128xi32, #tpu.memory_space<vmem>> -> memref<128xi32, #tpu.memory_space<vmem>>
      %dma_wait3A_171 = arith.constant 0 : i32
      %dma_wait3A_172 = arith.constant 0 : i32
      %dma_wait3A_173 = tpu.memref_slice %arg2[%dma_wait3A_171, %dma_wait3A_172] : memref<20000x64xf32, #tpu.memory_space<hbm>> -> memref<20000x64xf32, #tpu.memory_space<hbm>>
      tpu.wait_indirect_dma semaphore(%arg21 : memref<!tpu.dma_semaphore, #tpu.memory_space<semaphore_mem>>) src(%dma_wait3A_173 : memref<20000x64xf32, #tpu.memory_space<hbm>>) dst(%arg13 : memref<128x64xf32, #tpu.memory_space<vmem>>)
      %add3A_174 = arith.constant 2 : i32
      %add3A_175 = arith.addi %add3A_167, %add3A_174 : i32
      %lt3A_176 = arith.constant 156 : i32
      %lt3A_177 = arith.cmpi slt, %add3A_175, %lt3A_176 : i32
      %convert_element_type3A_178 = arith.extui %lt3A_177 : i1 to i32
      %cond3A_179 = arith.constant 0 : i32
      %cond3A_180 = arith.cmpi ne, %convert_element_type3A_178, %cond3A_179 : i32
      scf.if %cond3A_180 {
        %ge3A = arith.constant 1 : i32
        %ge3A_187 = arith.cmpi sge, %add3A_167, %ge3A : i32
        %convert_element_type3A_188 = arith.extui %ge3A_187 : i1 to i32
        %cond3A_189 = arith.constant 0 : i32
        %cond3A_190 = arith.cmpi ne, %convert_element_type3A_188, %cond3A_189 : i32
        scf.if %cond3A_190 {
          %sub3A = arith.constant 1 : i32
          %sub3A_199 = arith.subi %add3A_167, %sub3A : i32
          %dma_wait3A_200 = arith.constant 0 : i32
          %dma_wait3A_201 = tpu.memref_slice %arg10[%sub3A_199, %dma_wait3A_200] : memref<156x128xi32, #tpu.memory_space<vmem>> -> memref<1x128xi32, #tpu.memory_space<vmem>>
          %dma_wait3A_202 = tpu.memref_squeeze %dma_wait3A_201 : memref<1x128xi32, #tpu.memory_space<vmem>> -> memref<128xi32, #tpu.memory_space<vmem>>
          %dma_wait3A_203 = arith.constant 0 : i32
          %dma_wait3A_204 = arith.constant 0 : i32
          %dma_wait3A_205 = tpu.memref_slice %arg17[%dma_wait3A_203, %dma_wait3A_204] : memref<10000x64xf32, #tpu.memory_space<vmem_shared>> -> memref<10000x64xf32, #tpu.memory_space<vmem_shared>>
          tpu.wait_indirect_dma semaphore(%arg23 : memref<!tpu.dma_semaphore, #tpu.memory_space<semaphore_mem>>) src(%arg12 : memref<128x64xf32, #tpu.memory_space<vmem>>) dst(%dma_wait3A_205 : memref<10000x64xf32, #tpu.memory_space<vmem_shared>>)
        } else {
        }
        %add3A_191 = arith.constant 2 : i32
        %add3A_192 = arith.addi %add3A_167, %add3A_191 : i32
        %dma_start3A_193 = arith.constant 0 : i32
        %dma_start3A_194 = tpu.memref_slice %arg9[%add3A_192, %dma_start3A_193] : memref<156x128xi32, #tpu.memory_space<vmem>> -> memref<1x128xi32, #tpu.memory_space<vmem>>
        %dma_start3A_195 = tpu.memref_squeeze %dma_start3A_194 : memref<1x128xi32, #tpu.memory_space<vmem>> -> memref<128xi32, #tpu.memory_space<vmem>>
        %dma_start3A_196 = arith.constant 0 : i32
        %dma_start3A_197 = arith.constant 0 : i32
        %dma_start3A_198 = tpu.memref_slice %arg2[%dma_start3A_196, %dma_start3A_197] : memref<20000x64xf32, #tpu.memory_space<hbm>> -> memref<20000x64xf32, #tpu.memory_space<hbm>>
        tpu.enqueue_indirect_dma source(%dma_start3A_198 : memref<20000x64xf32, #tpu.memory_space<hbm>>) target(%arg12 : memref<128x64xf32, #tpu.memory_space<vmem>>) offsets(%dma_start3A_195 : memref<128xi32, #tpu.memory_space<vmem>>) semaphore(%arg20 : memref<!tpu.dma_semaphore, #tpu.memory_space<semaphore_mem>>)
      } else {
      }
      %dma_start3A_181 = arith.constant 0 : i32
      %dma_start3A_182 = tpu.memref_slice %arg10[%add3A_167, %dma_start3A_181] : memref<156x128xi32, #tpu.memory_space<vmem>> -> memref<1x128xi32, #tpu.memory_space<vmem>>
      %dma_start3A_183 = tpu.memref_squeeze %dma_start3A_182 : memref<1x128xi32, #tpu.memory_space<vmem>> -> memref<128xi32, #tpu.memory_space<vmem>>
      %dma_start3A_184 = arith.constant 0 : i32
      %dma_start3A_185 = arith.constant 0 : i32
      %dma_start3A_186 = tpu.memref_slice %arg17[%dma_start3A_184, %dma_start3A_185] : memref<10000x64xf32, #tpu.memory_space<vmem_shared>> -> memref<10000x64xf32, #tpu.memory_space<vmem_shared>>
      tpu.enqueue_indirect_dma source(%arg13 : memref<128x64xf32, #tpu.memory_space<vmem>>) target(%dma_start3A_186 : memref<10000x64xf32, #tpu.memory_space<vmem_shared>>) offsets(%dma_start3A_183 : memref<128xi32, #tpu.memory_space<vmem>>) semaphore(%arg24 : memref<!tpu.dma_semaphore, #tpu.memory_space<semaphore_mem>>) {add = true}
    }
    %scan3A_59 = arith.constant 52 : i32
    %dma_wait3A_60 = arith.constant 153 : i32
    %dma_wait3A_61 = arith.constant 0 : i32
    %dma_wait3A_62 = tpu.memref_slice %arg10[%dma_wait3A_60, %dma_wait3A_61] : memref<156x128xi32, #tpu.memory_space<vmem>> -> memref<1x128xi32, #tpu.memory_space<vmem>>
    %dma_wait3A_63 = tpu.memref_squeeze %dma_wait3A_62 : memref<1x128xi32, #tpu.memory_space<vmem>> -> memref<128xi32, #tpu.memory_space<vmem>>
    %dma_wait3A_64 = arith.constant 0 : i32
    %dma_wait3A_65 = arith.constant 0 : i32
    %dma_wait3A_66 = tpu.memref_slice %arg17[%dma_wait3A_64, %dma_wait3A_65] : memref<10000x64xf32, #tpu.memory_space<vmem_shared>> -> memref<10000x64xf32, #tpu.memory_space<vmem_shared>>
    tpu.wait_indirect_dma semaphore(%arg22 : memref<!tpu.dma_semaphore, #tpu.memory_space<semaphore_mem>>) src(%arg11 : memref<128x64xf32, #tpu.memory_space<vmem>>) dst(%dma_wait3A_66 : memref<10000x64xf32, #tpu.memory_space<vmem_shared>>)
    %dma_wait3A_67 = arith.constant 154 : i32
    %dma_wait3A_68 = arith.constant 0 : i32
    %dma_wait3A_69 = tpu.memref_slice %arg10[%dma_wait3A_67, %dma_wait3A_68] : memref<156x128xi32, #tpu.memory_space<vmem>> -> memref<1x128xi32, #tpu.memory_space<vmem>>
    %dma_wait3A_70 = tpu.memref_squeeze %dma_wait3A_69 : memref<1x128xi32, #tpu.memory_space<vmem>> -> memref<128xi32, #tpu.memory_space<vmem>>
    %dma_wait3A_71 = arith.constant 0 : i32
    %dma_wait3A_72 = arith.constant 0 : i32
    %dma_wait3A_73 = tpu.memref_slice %arg17[%dma_wait3A_71, %dma_wait3A_72] : memref<10000x64xf32, #tpu.memory_space<vmem_shared>> -> memref<10000x64xf32, #tpu.memory_space<vmem_shared>>
    tpu.wait_indirect_dma semaphore(%arg23 : memref<!tpu.dma_semaphore, #tpu.memory_space<semaphore_mem>>) src(%arg12 : memref<128x64xf32, #tpu.memory_space<vmem>>) dst(%dma_wait3A_73 : memref<10000x64xf32, #tpu.memory_space<vmem_shared>>)
    %dma_wait3A_74 = arith.constant 155 : i32
    %dma_wait3A_75 = arith.constant 0 : i32
    %dma_wait3A_76 = tpu.memref_slice %arg10[%dma_wait3A_74, %dma_wait3A_75] : memref<156x128xi32, #tpu.memory_space<vmem>> -> memref<1x128xi32, #tpu.memory_space<vmem>>
    %dma_wait3A_77 = tpu.memref_squeeze %dma_wait3A_76 : memref<1x128xi32, #tpu.memory_space<vmem>> -> memref<128xi32, #tpu.memory_space<vmem>>
    %dma_wait3A_78 = arith.constant 0 : i32
    %dma_wait3A_79 = arith.constant 0 : i32
    %dma_wait3A_80 = tpu.memref_slice %arg17[%dma_wait3A_78, %dma_wait3A_79] : memref<10000x64xf32, #tpu.memory_space<vmem_shared>> -> memref<10000x64xf32, #tpu.memory_space<vmem_shared>>
    tpu.wait_indirect_dma semaphore(%arg24 : memref<!tpu.dma_semaphore, #tpu.memory_space<semaphore_mem>>) src(%arg13 : memref<128x64xf32, #tpu.memory_space<vmem>>) dst(%dma_wait3A_80 : memref<10000x64xf32, #tpu.memory_space<vmem_shared>>)
    %mul3A_81 = arith.constant 320000 : i32
    %mul3A_82 = arith.muli %arg0, %mul3A_81 : i32
    %mul3A_83 = arith.constant 20000 : i32
    %mul3A_84 = arith.muli %arg1, %mul3A_83 : i32
    %add3A_85 = arith.addi %mul3A_82, %mul3A_84 : i32
    %add3A_86 = arith.constant 19968 : i32
    %add3A_87 = arith.addi %add3A_85, %add3A_86 : i32
    %multiple_of3A_88 = tpu.assume_multiple %add3A_87, 8 : i32
    %mul3A_89 = arith.constant 20000 : i32
    %mul3A_90 = arith.muli %arg1, %mul3A_89 : i32
    %add3A_91 = arith.constant 19968 : i32
    %add3A_92 = arith.addi %mul3A_90, %add3A_91 : i32
    %multiple_of3A_93 = tpu.assume_multiple %add3A_92, 8 : i32
    "tpu.region"() ({
      %run_scoped3A = tpu.sem_alloc : memref<!tpu.dma_semaphore, #tpu.memory_space<semaphore_mem>>
      %dma_start3A_117 = tpu.memref_slice %arg5[%multiple_of3A_88] : memref<640000xi32, #tpu.memory_space<hbm>> -> memref<32xi32, #tpu.memory_space<hbm>>
      %dma_start3A_118 = tpu.memref_slice %arg5[%multiple_of3A_88] : memref<640000xi32, #tpu.memory_space<hbm>> -> memref<32xi32, #tpu.memory_space<hbm>>
      tpu.enqueue_dma source(%dma_start3A_118 : memref<32xi32, #tpu.memory_space<hbm>>) target(%arg14 : memref<32xi32, #tpu.memory_space<vmem>>) target_semaphore(%run_scoped3A : memref<!tpu.dma_semaphore, #tpu.memory_space<semaphore_mem>>)
      %dma_wait3A_119 = tpu.memref_slice %arg5[%multiple_of3A_88] : memref<640000xi32, #tpu.memory_space<hbm>> -> memref<32xi32, #tpu.memory_space<hbm>>
      %dma_wait3A_120 = tpu.memref_slice %arg5[%multiple_of3A_88] : memref<640000xi32, #tpu.memory_space<hbm>> -> memref<32xi32, #tpu.memory_space<hbm>>
      tpu.wait_dma2 semaphore(%run_scoped3A : memref<!tpu.dma_semaphore, #tpu.memory_space<semaphore_mem>>) src(%dma_wait3A_120 : memref<32xi32, #tpu.memory_space<hbm>>) dst(%arg14 : memref<32xi32, #tpu.memory_space<vmem>>)
      tpu.yield
    }) : () -> ()
    "tpu.region"() ({
      %run_scoped3A = tpu.sem_alloc : memref<!tpu.dma_semaphore, #tpu.memory_space<semaphore_mem>>
      %dma_start3A_117 = tpu.memref_slice %arg6[%multiple_of3A_93] : memref<320000xi32, #tpu.memory_space<hbm>> -> memref<32xi32, #tpu.memory_space<hbm>>
      %dma_start3A_118 = tpu.memref_slice %arg6[%multiple_of3A_93] : memref<320000xi32, #tpu.memory_space<hbm>> -> memref<32xi32, #tpu.memory_space<hbm>>
      tpu.enqueue_dma source(%dma_start3A_118 : memref<32xi32, #tpu.memory_space<hbm>>) target(%arg15 : memref<32xi32, #tpu.memory_space<vmem>>) target_semaphore(%run_scoped3A : memref<!tpu.dma_semaphore, #tpu.memory_space<semaphore_mem>>)
      %dma_wait3A_119 = tpu.memref_slice %arg6[%multiple_of3A_93] : memref<320000xi32, #tpu.memory_space<hbm>> -> memref<32xi32, #tpu.memory_space<hbm>>
      %dma_wait3A_120 = tpu.memref_slice %arg6[%multiple_of3A_93] : memref<320000xi32, #tpu.memory_space<hbm>> -> memref<32xi32, #tpu.memory_space<hbm>>
      tpu.wait_dma2 semaphore(%run_scoped3A : memref<!tpu.dma_semaphore, #tpu.memory_space<semaphore_mem>>) src(%dma_wait3A_120 : memref<32xi32, #tpu.memory_space<hbm>>) dst(%arg15 : memref<32xi32, #tpu.memory_space<vmem>>)
      tpu.yield
    }) : () -> ()
    %dma_start3A_94 = arith.constant 0 : i32
    %dma_start3A_95 = arith.constant 0 : i32
    %dma_start3A_96 = tpu.memref_slice %arg2[%dma_start3A_94, %dma_start3A_95] : memref<20000x64xf32, #tpu.memory_space<hbm>> -> memref<20000x64xf32, #tpu.memory_space<hbm>>
    tpu.enqueue_indirect_dma source(%dma_start3A_96 : memref<20000x64xf32, #tpu.memory_space<hbm>>) target(%arg16 : memref<32x64xf32, #tpu.memory_space<vmem>>) offsets(%arg14 : memref<32xi32, #tpu.memory_space<vmem>>) semaphore(%arg19 : memref<!tpu.dma_semaphore, #tpu.memory_space<semaphore_mem>>)
    %dma_wait3A_97 = arith.constant 0 : i32
    %dma_wait3A_98 = arith.constant 0 : i32
    %dma_wait3A_99 = tpu.memref_slice %arg2[%dma_wait3A_97, %dma_wait3A_98] : memref<20000x64xf32, #tpu.memory_space<hbm>> -> memref<20000x64xf32, #tpu.memory_space<hbm>>
    tpu.wait_indirect_dma semaphore(%arg19 : memref<!tpu.dma_semaphore, #tpu.memory_space<semaphore_mem>>) src(%dma_wait3A_99 : memref<20000x64xf32, #tpu.memory_space<hbm>>) dst(%arg16 : memref<32x64xf32, #tpu.memory_space<vmem>>)
    "tpu.region"() ({
      %run_scoped3A = tpu.sem_alloc : memref<!tpu.dma_semaphore, #tpu.memory_space<semaphore_mem>>
      %dma_start3A_117 = arith.constant 0 : i32
      %dma_start3A_118 = arith.constant 0 : i32
      %dma_start3A_119 = tpu.memref_slice %arg17[%dma_start3A_117, %dma_start3A_118] : memref<10000x64xf32, #tpu.memory_space<vmem_shared>> -> memref<10000x64xf32, #tpu.memory_space<vmem_shared>>
      tpu.enqueue_indirect_dma source(%arg16 : memref<32x64xf32, #tpu.memory_space<vmem>>) target(%dma_start3A_119 : memref<10000x64xf32, #tpu.memory_space<vmem_shared>>) offsets(%arg15 : memref<32xi32, #tpu.memory_space<vmem>>) semaphore(%run_scoped3A : memref<!tpu.dma_semaphore, #tpu.memory_space<semaphore_mem>>) {add = true}
      %dma_wait3A_120 = arith.constant 0 : i32
      %dma_wait3A_121 = arith.constant 0 : i32
      %dma_wait3A_122 = tpu.memref_slice %arg17[%dma_wait3A_120, %dma_wait3A_121] : memref<10000x64xf32, #tpu.memory_space<vmem_shared>> -> memref<10000x64xf32, #tpu.memory_space<vmem_shared>>
      tpu.wait_indirect_dma semaphore(%run_scoped3A : memref<!tpu.dma_semaphore, #tpu.memory_space<semaphore_mem>>) src(%arg16 : memref<32x64xf32, #tpu.memory_space<vmem>>) dst(%dma_wait3A_122 : memref<10000x64xf32, #tpu.memory_space<vmem_shared>>)
      tpu.yield
    }) : () -> ()
    %barrier3A_100 = arith.constant 0 : index
    tpu.barrier barrier_id(%barrier3A_100)
    %mul3A_101 = arith.constant 64 : i32
    %mul3A_102 = arith.muli %arg0, %mul3A_101 : i32
    %mul3A_103 = arith.constant 624 : i32
    %mul3A_104 = arith.muli %arg1, %mul3A_103 : i32
    %multiple_of3A_105 = tpu.assume_multiple %mul3A_104, 8 : i32
    %multiple_of3A_106 = tpu.assume_multiple %mul3A_102, 8 : i32
    %lt3A_107 = arith.constant 15 : i32
    %lt3A_108 = arith.cmpi slt, %arg1, %lt3A_107 : i32
    %convert_element_type3A_109 = arith.extui %lt3A_108 : i1 to i32
    %cond3A_110 = arith.constant 0 : i32
    %cond3A_111 = arith.cmpi ne, %convert_element_type3A_109, %cond3A_110 : i32
    scf.if %cond3A_111 {
      "tpu.region"() ({
        %run_scoped3A = tpu.sem_alloc : memref<!tpu.dma_semaphore, #tpu.memory_space<semaphore_mem>>
        %dma_start3A_117 = tpu.memref_slice %arg8[%multiple_of3A_105, %multiple_of3A_106] : memref<10000x128xf32, #tpu.memory_space<hbm>> -> memref<624x64xf32, #tpu.memory_space<hbm>>
        %dma_start3A_118 = arith.constant 0 : i32
        %dma_start3A_119 = tpu.memref_slice %arg17[%multiple_of3A_105, %dma_start3A_118] : memref<10000x64xf32, #tpu.memory_space<vmem_shared>> -> memref<624x64xf32, #tpu.memory_space<vmem_shared>>
        tpu.enqueue_dma source(%dma_start3A_119 : memref<624x64xf32, #tpu.memory_space<vmem_shared>>) target(%dma_start3A_117 : memref<624x64xf32, #tpu.memory_space<hbm>>) target_semaphore(%run_scoped3A : memref<!tpu.dma_semaphore, #tpu.memory_space<semaphore_mem>>)
        %dma_wait3A_120 = tpu.memref_slice %arg8[%multiple_of3A_105, %multiple_of3A_106] : memref<10000x128xf32, #tpu.memory_space<hbm>> -> memref<624x64xf32, #tpu.memory_space<hbm>>
        %dma_wait3A_121 = arith.constant 0 : i32
        %dma_wait3A_122 = tpu.memref_slice %arg17[%multiple_of3A_105, %dma_wait3A_121] : memref<10000x64xf32, #tpu.memory_space<vmem_shared>> -> memref<624x64xf32, #tpu.memory_space<vmem_shared>>
        tpu.wait_dma2 semaphore(%run_scoped3A : memref<!tpu.dma_semaphore, #tpu.memory_space<semaphore_mem>>) src(%dma_wait3A_122 : memref<624x64xf32, #tpu.memory_space<vmem_shared>>) dst(%dma_wait3A_120 : memref<624x64xf32, #tpu.memory_space<hbm>>)
        tpu.yield
      }) : () -> ()
    } else {
    }
    %eq3A_112 = arith.constant 15 : i32
    %eq3A_113 = arith.cmpi eq, %arg1, %eq3A_112 : i32
    %convert_element_type3A_114 = arith.extui %eq3A_113 : i1 to i32
    %cond3A_115 = arith.constant 0 : i32
    %cond3A_116 = arith.cmpi ne, %convert_element_type3A_114, %cond3A_115 : i32
    scf.if %cond3A_116 {
      "tpu.region"() ({
        %run_scoped3A = tpu.sem_alloc : memref<!tpu.dma_semaphore, #tpu.memory_space<semaphore_mem>>
        %dma_start3A_117 = tpu.memref_slice %arg8[%multiple_of3A_105, %multiple_of3A_106] : memref<10000x128xf32, #tpu.memory_space<hbm>> -> memref<640x64xf32, #tpu.memory_space<hbm>>
        %dma_start3A_118 = arith.constant 0 : i32
        %dma_start3A_119 = tpu.memref_slice %arg17[%multiple_of3A_105, %dma_start3A_118] : memref<10000x64xf32, #tpu.memory_space<vmem_shared>> -> memref<640x64xf32, #tpu.memory_space<vmem_shared>>
        tpu.enqueue_dma source(%dma_start3A_119 : memref<640x64xf32, #tpu.memory_space<vmem_shared>>) target(%dma_start3A_117 : memref<640x64xf32, #tpu.memory_space<hbm>>) target_semaphore(%run_scoped3A : memref<!tpu.dma_semaphore, #tpu.memory_space<semaphore_mem>>)
        %dma_wait3A_120 = tpu.memref_slice %arg8[%multiple_of3A_105, %multiple_of3A_106] : memref<10000x128xf32, #tpu.memory_space<hbm>> -> memref<640x64xf32, #tpu.memory_space<hbm>>
        %dma_wait3A_121 = arith.constant 0 : i32
        %dma_wait3A_122 = tpu.memref_slice %arg17[%multiple_of3A_105, %dma_wait3A_121] : memref<10000x64xf32, #tpu.memory_space<vmem_shared>> -> memref<640x64xf32, #tpu.memory_space<vmem_shared>>
        tpu.wait_dma2 semaphore(%run_scoped3A : memref<!tpu.dma_semaphore, #tpu.memory_space<semaphore_mem>>) src(%dma_wait3A_122 : memref<640x64xf32, #tpu.memory_space<vmem_shared>>) dst(%dma_wait3A_120 : memref<640x64xf32, #tpu.memory_space<hbm>>)
        tpu.yield
      }) : () -> ()
    } else {
    }
    return
  }
}

#map = affine_map<(d0, d1) -> (0, 0)>
#map1 = affine_map<(d0, d1) -> (0, 0, 0)>
#map2 = affine_map<(d0, d1) -> (0)>
module attributes {stable_mosaic.version = 14 : i64} {
  func.func @_sc_agg2(%arg0: i32, %arg1: i32, %arg2: memref<10000x32xf32, #tpu.memory_space<hbm>>, %arg3: memref<32x39x256xi32, #tpu.memory_space<hbm>>, %arg4: memref<32x39x256xi32, #tpu.memory_space<hbm>>, %arg5: memref<320000xi32, #tpu.memory_space<hbm>>, %arg6: memref<320000xi32, #tpu.memory_space<hbm>>, %arg7: memref<10000x32xf32, #tpu.memory_space<hbm>>, %arg8: memref<10000x128xf32, #tpu.memory_space<hbm>>, %arg9: memref<39x256xi32, #tpu.memory_space<vmem>>, %arg10: memref<39x256xi32, #tpu.memory_space<vmem>>, %arg11: memref<256x32xf32, #tpu.memory_space<vmem>>, %arg12: memref<256x32xf32, #tpu.memory_space<vmem>>, %arg13: memref<256x32xf32, #tpu.memory_space<vmem>>, %arg14: memref<16xi32, #tpu.memory_space<vmem>>, %arg15: memref<16xi32, #tpu.memory_space<vmem>>, %arg16: memref<16x32xf32, #tpu.memory_space<vmem>>, %arg17: memref<10000x32xf32, #tpu.memory_space<vmem_shared>>, %arg18: memref<!tpu.dma_semaphore, #tpu.memory_space<semaphore_mem>>, %arg19: memref<!tpu.dma_semaphore, #tpu.memory_space<semaphore_mem>>, %arg20: memref<!tpu.dma_semaphore, #tpu.memory_space<semaphore_mem>>, %arg21: memref<!tpu.dma_semaphore, #tpu.memory_space<semaphore_mem>>, %arg22: memref<!tpu.dma_semaphore, #tpu.memory_space<semaphore_mem>>, %arg23: memref<!tpu.dma_semaphore, #tpu.memory_space<semaphore_mem>>, %arg24: memref<!tpu.dma_semaphore, #tpu.memory_space<semaphore_mem>>) attributes {dimension_semantics = [#tpu.dimension_semantics<core_parallel>, #tpu.dimension_semantics<subcore_parallel>], iteration_bounds = array<i64: 2, 16>, scalar_prefetch = 0 : i64, scratch_operands = 16 : i64, tpu.core_type = #tpu.core_type<sc_vector_subcore>, window_params = [{transform_indices = #map}, {transform_indices = #map1}, {transform_indices = #map1}, {transform_indices = #map2}, {transform_indices = #map2}, {transform_indices = #map}, {transform_indices = #map}]} {
    %mul3A = arith.constant 16 : i32
    %mul3A_0 = arith.muli %arg0, %mul3A : i32
    %add3A = arith.addi %mul3A_0, %arg1 : i32
    %dma_start3A = arith.constant 0 : i32
    %dma_start3A_1 = arith.constant 0 : i32
    %dma_start3A_2 = tpu.memref_slice %arg3[%add3A, %dma_start3A, %dma_start3A_1] : memref<32x39x256xi32, #tpu.memory_space<hbm>> -> memref<1x39x256xi32, #tpu.memory_space<hbm>>
    %dma_start3A_3 = tpu.memref_squeeze %dma_start3A_2 : memref<1x39x256xi32, #tpu.memory_space<hbm>> -> memref<39x256xi32, #tpu.memory_space<hbm>>
    %dma_start3A_4 = arith.constant 0 : i32
    %dma_start3A_5 = arith.constant 0 : i32
    %dma_start3A_6 = tpu.memref_slice %arg3[%add3A, %dma_start3A_4, %dma_start3A_5] : memref<32x39x256xi32, #tpu.memory_space<hbm>> -> memref<1x39x256xi32, #tpu.memory_space<hbm>>
    %dma_start3A_7 = tpu.memref_squeeze %dma_start3A_6 : memref<1x39x256xi32, #tpu.memory_space<hbm>> -> memref<39x256xi32, #tpu.memory_space<hbm>>
    tpu.enqueue_dma source(%dma_start3A_7 : memref<39x256xi32, #tpu.memory_space<hbm>>) target(%arg9 : memref<39x256xi32, #tpu.memory_space<vmem>>) target_semaphore(%arg18 : memref<!tpu.dma_semaphore, #tpu.memory_space<semaphore_mem>>)
    %dma_start3A_8 = arith.constant 0 : i32
    %dma_start3A_9 = arith.constant 0 : i32
    %dma_start3A_10 = tpu.memref_slice %arg4[%add3A, %dma_start3A_8, %dma_start3A_9] : memref<32x39x256xi32, #tpu.memory_space<hbm>> -> memref<1x39x256xi32, #tpu.memory_space<hbm>>
    %dma_start3A_11 = tpu.memref_squeeze %dma_start3A_10 : memref<1x39x256xi32, #tpu.memory_space<hbm>> -> memref<39x256xi32, #tpu.memory_space<hbm>>
    %dma_start3A_12 = arith.constant 0 : i32
    %dma_start3A_13 = arith.constant 0 : i32
    %dma_start3A_14 = tpu.memref_slice %arg4[%add3A, %dma_start3A_12, %dma_start3A_13] : memref<32x39x256xi32, #tpu.memory_space<hbm>> -> memref<1x39x256xi32, #tpu.memory_space<hbm>>
    %dma_start3A_15 = tpu.memref_squeeze %dma_start3A_14 : memref<1x39x256xi32, #tpu.memory_space<hbm>> -> memref<39x256xi32, #tpu.memory_space<hbm>>
    tpu.enqueue_dma source(%dma_start3A_15 : memref<39x256xi32, #tpu.memory_space<hbm>>) target(%arg10 : memref<39x256xi32, #tpu.memory_space<vmem>>) target_semaphore(%arg18 : memref<!tpu.dma_semaphore, #tpu.memory_space<semaphore_mem>>)
    %mul3A_16 = arith.constant 624 : i32
    %mul3A_17 = arith.muli %arg1, %mul3A_16 : i32
    %multiple_of3A = tpu.assume_multiple %mul3A_17, 8 : i32
    %lt3A = arith.constant 15 : i32
    %lt3A_18 = arith.cmpi slt, %arg1, %lt3A : i32
    %convert_element_type3A = arith.extui %lt3A_18 : i1 to i32
    %cond3A = arith.constant 0 : i32
    %cond3A_19 = arith.cmpi ne, %convert_element_type3A, %cond3A : i32
    scf.if %cond3A_19 {
      "tpu.region"() ({
        %run_scoped3A = tpu.sem_alloc : memref<!tpu.dma_semaphore, #tpu.memory_space<semaphore_mem>>
        %dma_start3A_114 = arith.constant 0 : i32
        %dma_start3A_115 = tpu.memref_slice %arg17[%multiple_of3A, %dma_start3A_114] : memref<10000x32xf32, #tpu.memory_space<vmem_shared>> -> memref<624x32xf32, #tpu.memory_space<vmem_shared>>
        %dma_start3A_116 = arith.constant 0 : i32
        %dma_start3A_117 = tpu.memref_slice %arg7[%multiple_of3A, %dma_start3A_116] : memref<10000x32xf32, #tpu.memory_space<hbm>> -> memref<624x32xf32, #tpu.memory_space<hbm>>
        tpu.enqueue_dma source(%dma_start3A_117 : memref<624x32xf32, #tpu.memory_space<hbm>>) target(%dma_start3A_115 : memref<624x32xf32, #tpu.memory_space<vmem_shared>>) target_semaphore(%run_scoped3A : memref<!tpu.dma_semaphore, #tpu.memory_space<semaphore_mem>>)
        %dma_wait3A_118 = arith.constant 0 : i32
        %dma_wait3A_119 = tpu.memref_slice %arg17[%multiple_of3A, %dma_wait3A_118] : memref<10000x32xf32, #tpu.memory_space<vmem_shared>> -> memref<624x32xf32, #tpu.memory_space<vmem_shared>>
        %dma_wait3A_120 = arith.constant 0 : i32
        %dma_wait3A_121 = tpu.memref_slice %arg7[%multiple_of3A, %dma_wait3A_120] : memref<10000x32xf32, #tpu.memory_space<hbm>> -> memref<624x32xf32, #tpu.memory_space<hbm>>
        tpu.wait_dma2 semaphore(%run_scoped3A : memref<!tpu.dma_semaphore, #tpu.memory_space<semaphore_mem>>) src(%dma_wait3A_121 : memref<624x32xf32, #tpu.memory_space<hbm>>) dst(%dma_wait3A_119 : memref<624x32xf32, #tpu.memory_space<vmem_shared>>)
        tpu.yield
      }) : () -> ()
    } else {
    }
    %eq3A = arith.constant 15 : i32
    %eq3A_20 = arith.cmpi eq, %arg1, %eq3A : i32
    %convert_element_type3A_21 = arith.extui %eq3A_20 : i1 to i32
    %cond3A_22 = arith.constant 0 : i32
    %cond3A_23 = arith.cmpi ne, %convert_element_type3A_21, %cond3A_22 : i32
    scf.if %cond3A_23 {
      "tpu.region"() ({
        %run_scoped3A = tpu.sem_alloc : memref<!tpu.dma_semaphore, #tpu.memory_space<semaphore_mem>>
        %dma_start3A_114 = arith.constant 0 : i32
        %dma_start3A_115 = tpu.memref_slice %arg17[%multiple_of3A, %dma_start3A_114] : memref<10000x32xf32, #tpu.memory_space<vmem_shared>> -> memref<640x32xf32, #tpu.memory_space<vmem_shared>>
        %dma_start3A_116 = arith.constant 0 : i32
        %dma_start3A_117 = tpu.memref_slice %arg7[%multiple_of3A, %dma_start3A_116] : memref<10000x32xf32, #tpu.memory_space<hbm>> -> memref<640x32xf32, #tpu.memory_space<hbm>>
        tpu.enqueue_dma source(%dma_start3A_117 : memref<640x32xf32, #tpu.memory_space<hbm>>) target(%dma_start3A_115 : memref<640x32xf32, #tpu.memory_space<vmem_shared>>) target_semaphore(%run_scoped3A : memref<!tpu.dma_semaphore, #tpu.memory_space<semaphore_mem>>)
        %dma_wait3A_118 = arith.constant 0 : i32
        %dma_wait3A_119 = tpu.memref_slice %arg17[%multiple_of3A, %dma_wait3A_118] : memref<10000x32xf32, #tpu.memory_space<vmem_shared>> -> memref<640x32xf32, #tpu.memory_space<vmem_shared>>
        %dma_wait3A_120 = arith.constant 0 : i32
        %dma_wait3A_121 = tpu.memref_slice %arg7[%multiple_of3A, %dma_wait3A_120] : memref<10000x32xf32, #tpu.memory_space<hbm>> -> memref<640x32xf32, #tpu.memory_space<hbm>>
        tpu.wait_dma2 semaphore(%run_scoped3A : memref<!tpu.dma_semaphore, #tpu.memory_space<semaphore_mem>>) src(%dma_wait3A_121 : memref<640x32xf32, #tpu.memory_space<hbm>>) dst(%dma_wait3A_119 : memref<640x32xf32, #tpu.memory_space<vmem_shared>>)
        tpu.yield
      }) : () -> ()
    } else {
    }
    %barrier3A = arith.constant 0 : index
    tpu.barrier barrier_id(%barrier3A)
    %dma_wait3A = arith.constant 0 : i32
    %dma_wait3A_24 = arith.constant 0 : i32
    %dma_wait3A_25 = arith.constant 0 : i32
    %dma_wait3A_26 = tpu.memref_slice %arg3[%dma_wait3A, %dma_wait3A_24, %dma_wait3A_25] : memref<32x39x256xi32, #tpu.memory_space<hbm>> -> memref<1x39x256xi32, #tpu.memory_space<hbm>>
    %dma_wait3A_27 = tpu.memref_squeeze %dma_wait3A_26 : memref<1x39x256xi32, #tpu.memory_space<hbm>> -> memref<39x256xi32, #tpu.memory_space<hbm>>
    %dma_wait3A_28 = arith.constant 0 : i32
    %dma_wait3A_29 = arith.constant 0 : i32
    %dma_wait3A_30 = tpu.memref_slice %arg3[%dma_wait3A, %dma_wait3A_28, %dma_wait3A_29] : memref<32x39x256xi32, #tpu.memory_space<hbm>> -> memref<1x39x256xi32, #tpu.memory_space<hbm>>
    %dma_wait3A_31 = tpu.memref_squeeze %dma_wait3A_30 : memref<1x39x256xi32, #tpu.memory_space<hbm>> -> memref<39x256xi32, #tpu.memory_space<hbm>>
    tpu.wait_dma2 semaphore(%arg18 : memref<!tpu.dma_semaphore, #tpu.memory_space<semaphore_mem>>) src(%dma_wait3A_31 : memref<39x256xi32, #tpu.memory_space<hbm>>) dst(%arg9 : memref<39x256xi32, #tpu.memory_space<vmem>>)
    %dma_wait3A_32 = arith.constant 0 : i32
    %dma_wait3A_33 = arith.constant 0 : i32
    %dma_wait3A_34 = arith.constant 0 : i32
    %dma_wait3A_35 = tpu.memref_slice %arg4[%dma_wait3A_32, %dma_wait3A_33, %dma_wait3A_34] : memref<32x39x256xi32, #tpu.memory_space<hbm>> -> memref<1x39x256xi32, #tpu.memory_space<hbm>>
    %dma_wait3A_36 = tpu.memref_squeeze %dma_wait3A_35 : memref<1x39x256xi32, #tpu.memory_space<hbm>> -> memref<39x256xi32, #tpu.memory_space<hbm>>
    %dma_wait3A_37 = arith.constant 0 : i32
    %dma_wait3A_38 = arith.constant 0 : i32
    %dma_wait3A_39 = tpu.memref_slice %arg4[%dma_wait3A_32, %dma_wait3A_37, %dma_wait3A_38] : memref<32x39x256xi32, #tpu.memory_space<hbm>> -> memref<1x39x256xi32, #tpu.memory_space<hbm>>
    %dma_wait3A_40 = tpu.memref_squeeze %dma_wait3A_39 : memref<1x39x256xi32, #tpu.memory_space<hbm>> -> memref<39x256xi32, #tpu.memory_space<hbm>>
    tpu.wait_dma2 semaphore(%arg18 : memref<!tpu.dma_semaphore, #tpu.memory_space<semaphore_mem>>) src(%dma_wait3A_40 : memref<39x256xi32, #tpu.memory_space<hbm>>) dst(%arg10 : memref<39x256xi32, #tpu.memory_space<vmem>>)
    %dma_start3A_41 = arith.constant 0 : i32
    %dma_start3A_42 = arith.constant 0 : i32
    %dma_start3A_43 = tpu.memref_slice %arg9[%dma_start3A_41, %dma_start3A_42] : memref<39x256xi32, #tpu.memory_space<vmem>> -> memref<1x256xi32, #tpu.memory_space<vmem>>
    %dma_start3A_44 = tpu.memref_squeeze %dma_start3A_43 : memref<1x256xi32, #tpu.memory_space<vmem>> -> memref<256xi32, #tpu.memory_space<vmem>>
    %dma_start3A_45 = arith.constant 0 : i32
    %dma_start3A_46 = arith.constant 0 : i32
    %dma_start3A_47 = tpu.memref_slice %arg2[%dma_start3A_45, %dma_start3A_46] : memref<10000x32xf32, #tpu.memory_space<hbm>> -> memref<10000x32xf32, #tpu.memory_space<hbm>>
    tpu.enqueue_indirect_dma source(%dma_start3A_47 : memref<10000x32xf32, #tpu.memory_space<hbm>>) target(%arg11 : memref<256x32xf32, #tpu.memory_space<vmem>>) offsets(%dma_start3A_44 : memref<256xi32, #tpu.memory_space<vmem>>) semaphore(%arg19 : memref<!tpu.dma_semaphore, #tpu.memory_space<semaphore_mem>>)
    %dma_start3A_48 = arith.constant 1 : i32
    %dma_start3A_49 = arith.constant 0 : i32
    %dma_start3A_50 = tpu.memref_slice %arg9[%dma_start3A_48, %dma_start3A_49] : memref<39x256xi32, #tpu.memory_space<vmem>> -> memref<1x256xi32, #tpu.memory_space<vmem>>
    %dma_start3A_51 = tpu.memref_squeeze %dma_start3A_50 : memref<1x256xi32, #tpu.memory_space<vmem>> -> memref<256xi32, #tpu.memory_space<vmem>>
    %dma_start3A_52 = arith.constant 0 : i32
    %dma_start3A_53 = arith.constant 0 : i32
    %dma_start3A_54 = tpu.memref_slice %arg2[%dma_start3A_52, %dma_start3A_53] : memref<10000x32xf32, #tpu.memory_space<hbm>> -> memref<10000x32xf32, #tpu.memory_space<hbm>>
    tpu.enqueue_indirect_dma source(%dma_start3A_54 : memref<10000x32xf32, #tpu.memory_space<hbm>>) target(%arg12 : memref<256x32xf32, #tpu.memory_space<vmem>>) offsets(%dma_start3A_51 : memref<256xi32, #tpu.memory_space<vmem>>) semaphore(%arg20 : memref<!tpu.dma_semaphore, #tpu.memory_space<semaphore_mem>>)
    %scan3A = arith.constant 0 : i32
    %scan3A_55 = arith.constant 0 : i32
    %scan3A_56 = arith.constant 13 : i32
    %scan3A_57 = arith.addi %scan3A_55, %scan3A_56 : i32
    %scan3A_58 = arith.constant 1 : i32
    scf.for %scan3A_114 = %scan3A_55 to %scan3A_57 step %scan3A_58  : i32 {
      %mul3A_115 = arith.constant 3 : i32
      %mul3A_116 = arith.muli %mul3A_115, %scan3A_114 : i32
      %add3A_117 = arith.constant 0 : i32
      %add3A_118 = arith.addi %mul3A_116, %add3A_117 : i32
      %dma_wait3A_119 = arith.constant 0 : i32
      %dma_wait3A_120 = tpu.memref_slice %arg9[%add3A_118, %dma_wait3A_119] : memref<39x256xi32, #tpu.memory_space<vmem>> -> memref<1x256xi32, #tpu.memory_space<vmem>>
      %dma_wait3A_121 = tpu.memref_squeeze %dma_wait3A_120 : memref<1x256xi32, #tpu.memory_space<vmem>> -> memref<256xi32, #tpu.memory_space<vmem>>
      %dma_wait3A_122 = arith.constant 0 : i32
      %dma_wait3A_123 = arith.constant 0 : i32
      %dma_wait3A_124 = tpu.memref_slice %arg2[%dma_wait3A_122, %dma_wait3A_123] : memref<10000x32xf32, #tpu.memory_space<hbm>> -> memref<10000x32xf32, #tpu.memory_space<hbm>>
      tpu.wait_indirect_dma semaphore(%arg19 : memref<!tpu.dma_semaphore, #tpu.memory_space<semaphore_mem>>) src(%dma_wait3A_124 : memref<10000x32xf32, #tpu.memory_space<hbm>>) dst(%arg11 : memref<256x32xf32, #tpu.memory_space<vmem>>)
      %add3A_125 = arith.constant 2 : i32
      %add3A_126 = arith.addi %add3A_118, %add3A_125 : i32
      %lt3A_127 = arith.constant 39 : i32
      %lt3A_128 = arith.cmpi slt, %add3A_126, %lt3A_127 : i32
      %convert_element_type3A_129 = arith.extui %lt3A_128 : i1 to i32
      %cond3A_130 = arith.constant 0 : i32
      %cond3A_131 = arith.cmpi ne, %convert_element_type3A_129, %cond3A_130 : i32
      scf.if %cond3A_131 {
        %ge3A = arith.constant 1 : i32
        %ge3A_184 = arith.cmpi sge, %add3A_118, %ge3A : i32
        %convert_element_type3A_185 = arith.extui %ge3A_184 : i1 to i32
        %cond3A_186 = arith.constant 0 : i32
        %cond3A_187 = arith.cmpi ne, %convert_element_type3A_185, %cond3A_186 : i32
        scf.if %cond3A_187 {
          %sub3A = arith.constant 1 : i32
          %sub3A_196 = arith.subi %add3A_118, %sub3A : i32
          %dma_wait3A_197 = arith.constant 0 : i32
          %dma_wait3A_198 = tpu.memref_slice %arg10[%sub3A_196, %dma_wait3A_197] : memref<39x256xi32, #tpu.memory_space<vmem>> -> memref<1x256xi32, #tpu.memory_space<vmem>>
          %dma_wait3A_199 = tpu.memref_squeeze %dma_wait3A_198 : memref<1x256xi32, #tpu.memory_space<vmem>> -> memref<256xi32, #tpu.memory_space<vmem>>
          %dma_wait3A_200 = arith.constant 0 : i32
          %dma_wait3A_201 = arith.constant 0 : i32
          %dma_wait3A_202 = tpu.memref_slice %arg17[%dma_wait3A_200, %dma_wait3A_201] : memref<10000x32xf32, #tpu.memory_space<vmem_shared>> -> memref<10000x32xf32, #tpu.memory_space<vmem_shared>>
          tpu.wait_indirect_dma semaphore(%arg24 : memref<!tpu.dma_semaphore, #tpu.memory_space<semaphore_mem>>) src(%arg13 : memref<256x32xf32, #tpu.memory_space<vmem>>) dst(%dma_wait3A_202 : memref<10000x32xf32, #tpu.memory_space<vmem_shared>>)
        } else {
        }
        %add3A_188 = arith.constant 2 : i32
        %add3A_189 = arith.addi %add3A_118, %add3A_188 : i32
        %dma_start3A_190 = arith.constant 0 : i32
        %dma_start3A_191 = tpu.memref_slice %arg9[%add3A_189, %dma_start3A_190] : memref<39x256xi32, #tpu.memory_space<vmem>> -> memref<1x256xi32, #tpu.memory_space<vmem>>
        %dma_start3A_192 = tpu.memref_squeeze %dma_start3A_191 : memref<1x256xi32, #tpu.memory_space<vmem>> -> memref<256xi32, #tpu.memory_space<vmem>>
        %dma_start3A_193 = arith.constant 0 : i32
        %dma_start3A_194 = arith.constant 0 : i32
        %dma_start3A_195 = tpu.memref_slice %arg2[%dma_start3A_193, %dma_start3A_194] : memref<10000x32xf32, #tpu.memory_space<hbm>> -> memref<10000x32xf32, #tpu.memory_space<hbm>>
        tpu.enqueue_indirect_dma source(%dma_start3A_195 : memref<10000x32xf32, #tpu.memory_space<hbm>>) target(%arg13 : memref<256x32xf32, #tpu.memory_space<vmem>>) offsets(%dma_start3A_192 : memref<256xi32, #tpu.memory_space<vmem>>) semaphore(%arg21 : memref<!tpu.dma_semaphore, #tpu.memory_space<semaphore_mem>>)
      } else {
      }
      %dma_start3A_132 = arith.constant 0 : i32
      %dma_start3A_133 = tpu.memref_slice %arg10[%add3A_118, %dma_start3A_132] : memref<39x256xi32, #tpu.memory_space<vmem>> -> memref<1x256xi32, #tpu.memory_space<vmem>>
      %dma_start3A_134 = tpu.memref_squeeze %dma_start3A_133 : memref<1x256xi32, #tpu.memory_space<vmem>> -> memref<256xi32, #tpu.memory_space<vmem>>
      %dma_start3A_135 = arith.constant 0 : i32
      %dma_start3A_136 = arith.constant 0 : i32
      %dma_start3A_137 = tpu.memref_slice %arg17[%dma_start3A_135, %dma_start3A_136] : memref<10000x32xf32, #tpu.memory_space<vmem_shared>> -> memref<10000x32xf32, #tpu.memory_space<vmem_shared>>
      tpu.enqueue_indirect_dma source(%arg11 : memref<256x32xf32, #tpu.memory_space<vmem>>) target(%dma_start3A_137 : memref<10000x32xf32, #tpu.memory_space<vmem_shared>>) offsets(%dma_start3A_134 : memref<256xi32, #tpu.memory_space<vmem>>) semaphore(%arg22 : memref<!tpu.dma_semaphore, #tpu.memory_space<semaphore_mem>>) {add = true}
      %mul3A_138 = arith.constant 3 : i32
      %mul3A_139 = arith.muli %mul3A_138, %scan3A_114 : i32
      %add3A_140 = arith.constant 1 : i32
      %add3A_141 = arith.addi %mul3A_139, %add3A_140 : i32
      %dma_wait3A_142 = arith.constant 0 : i32
      %dma_wait3A_143 = tpu.memref_slice %arg9[%add3A_141, %dma_wait3A_142] : memref<39x256xi32, #tpu.memory_space<vmem>> -> memref<1x256xi32, #tpu.memory_space<vmem>>
      %dma_wait3A_144 = tpu.memref_squeeze %dma_wait3A_143 : memref<1x256xi32, #tpu.memory_space<vmem>> -> memref<256xi32, #tpu.memory_space<vmem>>
      %dma_wait3A_145 = arith.constant 0 : i32
      %dma_wait3A_146 = arith.constant 0 : i32
      %dma_wait3A_147 = tpu.memref_slice %arg2[%dma_wait3A_145, %dma_wait3A_146] : memref<10000x32xf32, #tpu.memory_space<hbm>> -> memref<10000x32xf32, #tpu.memory_space<hbm>>
      tpu.wait_indirect_dma semaphore(%arg20 : memref<!tpu.dma_semaphore, #tpu.memory_space<semaphore_mem>>) src(%dma_wait3A_147 : memref<10000x32xf32, #tpu.memory_space<hbm>>) dst(%arg12 : memref<256x32xf32, #tpu.memory_space<vmem>>)
      %add3A_148 = arith.constant 2 : i32
      %add3A_149 = arith.addi %add3A_141, %add3A_148 : i32
      %lt3A_150 = arith.constant 39 : i32
      %lt3A_151 = arith.cmpi slt, %add3A_149, %lt3A_150 : i32
      %convert_element_type3A_152 = arith.extui %lt3A_151 : i1 to i32
      %cond3A_153 = arith.constant 0 : i32
      %cond3A_154 = arith.cmpi ne, %convert_element_type3A_152, %cond3A_153 : i32
      scf.if %cond3A_154 {
        %ge3A = arith.constant 1 : i32
        %ge3A_184 = arith.cmpi sge, %add3A_141, %ge3A : i32
        %convert_element_type3A_185 = arith.extui %ge3A_184 : i1 to i32
        %cond3A_186 = arith.constant 0 : i32
        %cond3A_187 = arith.cmpi ne, %convert_element_type3A_185, %cond3A_186 : i32
        scf.if %cond3A_187 {
          %sub3A = arith.constant 1 : i32
          %sub3A_196 = arith.subi %add3A_141, %sub3A : i32
          %dma_wait3A_197 = arith.constant 0 : i32
          %dma_wait3A_198 = tpu.memref_slice %arg10[%sub3A_196, %dma_wait3A_197] : memref<39x256xi32, #tpu.memory_space<vmem>> -> memref<1x256xi32, #tpu.memory_space<vmem>>
          %dma_wait3A_199 = tpu.memref_squeeze %dma_wait3A_198 : memref<1x256xi32, #tpu.memory_space<vmem>> -> memref<256xi32, #tpu.memory_space<vmem>>
          %dma_wait3A_200 = arith.constant 0 : i32
          %dma_wait3A_201 = arith.constant 0 : i32
          %dma_wait3A_202 = tpu.memref_slice %arg17[%dma_wait3A_200, %dma_wait3A_201] : memref<10000x32xf32, #tpu.memory_space<vmem_shared>> -> memref<10000x32xf32, #tpu.memory_space<vmem_shared>>
          tpu.wait_indirect_dma semaphore(%arg22 : memref<!tpu.dma_semaphore, #tpu.memory_space<semaphore_mem>>) src(%arg11 : memref<256x32xf32, #tpu.memory_space<vmem>>) dst(%dma_wait3A_202 : memref<10000x32xf32, #tpu.memory_space<vmem_shared>>)
        } else {
        }
        %add3A_188 = arith.constant 2 : i32
        %add3A_189 = arith.addi %add3A_141, %add3A_188 : i32
        %dma_start3A_190 = arith.constant 0 : i32
        %dma_start3A_191 = tpu.memref_slice %arg9[%add3A_189, %dma_start3A_190] : memref<39x256xi32, #tpu.memory_space<vmem>> -> memref<1x256xi32, #tpu.memory_space<vmem>>
        %dma_start3A_192 = tpu.memref_squeeze %dma_start3A_191 : memref<1x256xi32, #tpu.memory_space<vmem>> -> memref<256xi32, #tpu.memory_space<vmem>>
        %dma_start3A_193 = arith.constant 0 : i32
        %dma_start3A_194 = arith.constant 0 : i32
        %dma_start3A_195 = tpu.memref_slice %arg2[%dma_start3A_193, %dma_start3A_194] : memref<10000x32xf32, #tpu.memory_space<hbm>> -> memref<10000x32xf32, #tpu.memory_space<hbm>>
        tpu.enqueue_indirect_dma source(%dma_start3A_195 : memref<10000x32xf32, #tpu.memory_space<hbm>>) target(%arg11 : memref<256x32xf32, #tpu.memory_space<vmem>>) offsets(%dma_start3A_192 : memref<256xi32, #tpu.memory_space<vmem>>) semaphore(%arg19 : memref<!tpu.dma_semaphore, #tpu.memory_space<semaphore_mem>>)
      } else {
      }
      %dma_start3A_155 = arith.constant 0 : i32
      %dma_start3A_156 = tpu.memref_slice %arg10[%add3A_141, %dma_start3A_155] : memref<39x256xi32, #tpu.memory_space<vmem>> -> memref<1x256xi32, #tpu.memory_space<vmem>>
      %dma_start3A_157 = tpu.memref_squeeze %dma_start3A_156 : memref<1x256xi32, #tpu.memory_space<vmem>> -> memref<256xi32, #tpu.memory_space<vmem>>
      %dma_start3A_158 = arith.constant 0 : i32
      %dma_start3A_159 = arith.constant 0 : i32
      %dma_start3A_160 = tpu.memref_slice %arg17[%dma_start3A_158, %dma_start3A_159] : memref<10000x32xf32, #tpu.memory_space<vmem_shared>> -> memref<10000x32xf32, #tpu.memory_space<vmem_shared>>
      tpu.enqueue_indirect_dma source(%arg12 : memref<256x32xf32, #tpu.memory_space<vmem>>) target(%dma_start3A_160 : memref<10000x32xf32, #tpu.memory_space<vmem_shared>>) offsets(%dma_start3A_157 : memref<256xi32, #tpu.memory_space<vmem>>) semaphore(%arg23 : memref<!tpu.dma_semaphore, #tpu.memory_space<semaphore_mem>>) {add = true}
      %mul3A_161 = arith.constant 3 : i32
      %mul3A_162 = arith.muli %mul3A_161, %scan3A_114 : i32
      %add3A_163 = arith.constant 2 : i32
      %add3A_164 = arith.addi %mul3A_162, %add3A_163 : i32
      %dma_wait3A_165 = arith.constant 0 : i32
      %dma_wait3A_166 = tpu.memref_slice %arg9[%add3A_164, %dma_wait3A_165] : memref<39x256xi32, #tpu.memory_space<vmem>> -> memref<1x256xi32, #tpu.memory_space<vmem>>
      %dma_wait3A_167 = tpu.memref_squeeze %dma_wait3A_166 : memref<1x256xi32, #tpu.memory_space<vmem>> -> memref<256xi32, #tpu.memory_space<vmem>>
      %dma_wait3A_168 = arith.constant 0 : i32
      %dma_wait3A_169 = arith.constant 0 : i32
      %dma_wait3A_170 = tpu.memref_slice %arg2[%dma_wait3A_168, %dma_wait3A_169] : memref<10000x32xf32, #tpu.memory_space<hbm>> -> memref<10000x32xf32, #tpu.memory_space<hbm>>
      tpu.wait_indirect_dma semaphore(%arg21 : memref<!tpu.dma_semaphore, #tpu.memory_space<semaphore_mem>>) src(%dma_wait3A_170 : memref<10000x32xf32, #tpu.memory_space<hbm>>) dst(%arg13 : memref<256x32xf32, #tpu.memory_space<vmem>>)
      %add3A_171 = arith.constant 2 : i32
      %add3A_172 = arith.addi %add3A_164, %add3A_171 : i32
      %lt3A_173 = arith.constant 39 : i32
      %lt3A_174 = arith.cmpi slt, %add3A_172, %lt3A_173 : i32
      %convert_element_type3A_175 = arith.extui %lt3A_174 : i1 to i32
      %cond3A_176 = arith.constant 0 : i32
      %cond3A_177 = arith.cmpi ne, %convert_element_type3A_175, %cond3A_176 : i32
      scf.if %cond3A_177 {
        %ge3A = arith.constant 1 : i32
        %ge3A_184 = arith.cmpi sge, %add3A_164, %ge3A : i32
        %convert_element_type3A_185 = arith.extui %ge3A_184 : i1 to i32
        %cond3A_186 = arith.constant 0 : i32
        %cond3A_187 = arith.cmpi ne, %convert_element_type3A_185, %cond3A_186 : i32
        scf.if %cond3A_187 {
          %sub3A = arith.constant 1 : i32
          %sub3A_196 = arith.subi %add3A_164, %sub3A : i32
          %dma_wait3A_197 = arith.constant 0 : i32
          %dma_wait3A_198 = tpu.memref_slice %arg10[%sub3A_196, %dma_wait3A_197] : memref<39x256xi32, #tpu.memory_space<vmem>> -> memref<1x256xi32, #tpu.memory_space<vmem>>
          %dma_wait3A_199 = tpu.memref_squeeze %dma_wait3A_198 : memref<1x256xi32, #tpu.memory_space<vmem>> -> memref<256xi32, #tpu.memory_space<vmem>>
          %dma_wait3A_200 = arith.constant 0 : i32
          %dma_wait3A_201 = arith.constant 0 : i32
          %dma_wait3A_202 = tpu.memref_slice %arg17[%dma_wait3A_200, %dma_wait3A_201] : memref<10000x32xf32, #tpu.memory_space<vmem_shared>> -> memref<10000x32xf32, #tpu.memory_space<vmem_shared>>
          tpu.wait_indirect_dma semaphore(%arg23 : memref<!tpu.dma_semaphore, #tpu.memory_space<semaphore_mem>>) src(%arg12 : memref<256x32xf32, #tpu.memory_space<vmem>>) dst(%dma_wait3A_202 : memref<10000x32xf32, #tpu.memory_space<vmem_shared>>)
        } else {
        }
        %add3A_188 = arith.constant 2 : i32
        %add3A_189 = arith.addi %add3A_164, %add3A_188 : i32
        %dma_start3A_190 = arith.constant 0 : i32
        %dma_start3A_191 = tpu.memref_slice %arg9[%add3A_189, %dma_start3A_190] : memref<39x256xi32, #tpu.memory_space<vmem>> -> memref<1x256xi32, #tpu.memory_space<vmem>>
        %dma_start3A_192 = tpu.memref_squeeze %dma_start3A_191 : memref<1x256xi32, #tpu.memory_space<vmem>> -> memref<256xi32, #tpu.memory_space<vmem>>
        %dma_start3A_193 = arith.constant 0 : i32
        %dma_start3A_194 = arith.constant 0 : i32
        %dma_start3A_195 = tpu.memref_slice %arg2[%dma_start3A_193, %dma_start3A_194] : memref<10000x32xf32, #tpu.memory_space<hbm>> -> memref<10000x32xf32, #tpu.memory_space<hbm>>
        tpu.enqueue_indirect_dma source(%dma_start3A_195 : memref<10000x32xf32, #tpu.memory_space<hbm>>) target(%arg12 : memref<256x32xf32, #tpu.memory_space<vmem>>) offsets(%dma_start3A_192 : memref<256xi32, #tpu.memory_space<vmem>>) semaphore(%arg20 : memref<!tpu.dma_semaphore, #tpu.memory_space<semaphore_mem>>)
      } else {
      }
      %dma_start3A_178 = arith.constant 0 : i32
      %dma_start3A_179 = tpu.memref_slice %arg10[%add3A_164, %dma_start3A_178] : memref<39x256xi32, #tpu.memory_space<vmem>> -> memref<1x256xi32, #tpu.memory_space<vmem>>
      %dma_start3A_180 = tpu.memref_squeeze %dma_start3A_179 : memref<1x256xi32, #tpu.memory_space<vmem>> -> memref<256xi32, #tpu.memory_space<vmem>>
      %dma_start3A_181 = arith.constant 0 : i32
      %dma_start3A_182 = arith.constant 0 : i32
      %dma_start3A_183 = tpu.memref_slice %arg17[%dma_start3A_181, %dma_start3A_182] : memref<10000x32xf32, #tpu.memory_space<vmem_shared>> -> memref<10000x32xf32, #tpu.memory_space<vmem_shared>>
      tpu.enqueue_indirect_dma source(%arg13 : memref<256x32xf32, #tpu.memory_space<vmem>>) target(%dma_start3A_183 : memref<10000x32xf32, #tpu.memory_space<vmem_shared>>) offsets(%dma_start3A_180 : memref<256xi32, #tpu.memory_space<vmem>>) semaphore(%arg24 : memref<!tpu.dma_semaphore, #tpu.memory_space<semaphore_mem>>) {add = true}
    }
    %scan3A_59 = arith.constant 13 : i32
    %dma_wait3A_60 = arith.constant 36 : i32
    %dma_wait3A_61 = arith.constant 0 : i32
    %dma_wait3A_62 = tpu.memref_slice %arg10[%dma_wait3A_60, %dma_wait3A_61] : memref<39x256xi32, #tpu.memory_space<vmem>> -> memref<1x256xi32, #tpu.memory_space<vmem>>
    %dma_wait3A_63 = tpu.memref_squeeze %dma_wait3A_62 : memref<1x256xi32, #tpu.memory_space<vmem>> -> memref<256xi32, #tpu.memory_space<vmem>>
    %dma_wait3A_64 = arith.constant 0 : i32
    %dma_wait3A_65 = arith.constant 0 : i32
    %dma_wait3A_66 = tpu.memref_slice %arg17[%dma_wait3A_64, %dma_wait3A_65] : memref<10000x32xf32, #tpu.memory_space<vmem_shared>> -> memref<10000x32xf32, #tpu.memory_space<vmem_shared>>
    tpu.wait_indirect_dma semaphore(%arg22 : memref<!tpu.dma_semaphore, #tpu.memory_space<semaphore_mem>>) src(%arg11 : memref<256x32xf32, #tpu.memory_space<vmem>>) dst(%dma_wait3A_66 : memref<10000x32xf32, #tpu.memory_space<vmem_shared>>)
    %dma_wait3A_67 = arith.constant 37 : i32
    %dma_wait3A_68 = arith.constant 0 : i32
    %dma_wait3A_69 = tpu.memref_slice %arg10[%dma_wait3A_67, %dma_wait3A_68] : memref<39x256xi32, #tpu.memory_space<vmem>> -> memref<1x256xi32, #tpu.memory_space<vmem>>
    %dma_wait3A_70 = tpu.memref_squeeze %dma_wait3A_69 : memref<1x256xi32, #tpu.memory_space<vmem>> -> memref<256xi32, #tpu.memory_space<vmem>>
    %dma_wait3A_71 = arith.constant 0 : i32
    %dma_wait3A_72 = arith.constant 0 : i32
    %dma_wait3A_73 = tpu.memref_slice %arg17[%dma_wait3A_71, %dma_wait3A_72] : memref<10000x32xf32, #tpu.memory_space<vmem_shared>> -> memref<10000x32xf32, #tpu.memory_space<vmem_shared>>
    tpu.wait_indirect_dma semaphore(%arg23 : memref<!tpu.dma_semaphore, #tpu.memory_space<semaphore_mem>>) src(%arg12 : memref<256x32xf32, #tpu.memory_space<vmem>>) dst(%dma_wait3A_73 : memref<10000x32xf32, #tpu.memory_space<vmem_shared>>)
    %dma_wait3A_74 = arith.constant 38 : i32
    %dma_wait3A_75 = arith.constant 0 : i32
    %dma_wait3A_76 = tpu.memref_slice %arg10[%dma_wait3A_74, %dma_wait3A_75] : memref<39x256xi32, #tpu.memory_space<vmem>> -> memref<1x256xi32, #tpu.memory_space<vmem>>
    %dma_wait3A_77 = tpu.memref_squeeze %dma_wait3A_76 : memref<1x256xi32, #tpu.memory_space<vmem>> -> memref<256xi32, #tpu.memory_space<vmem>>
    %dma_wait3A_78 = arith.constant 0 : i32
    %dma_wait3A_79 = arith.constant 0 : i32
    %dma_wait3A_80 = tpu.memref_slice %arg17[%dma_wait3A_78, %dma_wait3A_79] : memref<10000x32xf32, #tpu.memory_space<vmem_shared>> -> memref<10000x32xf32, #tpu.memory_space<vmem_shared>>
    tpu.wait_indirect_dma semaphore(%arg24 : memref<!tpu.dma_semaphore, #tpu.memory_space<semaphore_mem>>) src(%arg13 : memref<256x32xf32, #tpu.memory_space<vmem>>) dst(%dma_wait3A_80 : memref<10000x32xf32, #tpu.memory_space<vmem_shared>>)
    %mul3A_81 = arith.constant 10000 : i32
    %mul3A_82 = arith.muli %add3A, %mul3A_81 : i32
    %add3A_83 = arith.constant 9984 : i32
    %add3A_84 = arith.addi %mul3A_82, %add3A_83 : i32
    %multiple_of3A_85 = tpu.assume_multiple %add3A_84, 8 : i32
    %mul3A_86 = arith.constant 10000 : i32
    %mul3A_87 = arith.muli %add3A, %mul3A_86 : i32
    %add3A_88 = arith.constant 9984 : i32
    %add3A_89 = arith.addi %mul3A_87, %add3A_88 : i32
    %multiple_of3A_90 = tpu.assume_multiple %add3A_89, 8 : i32
    "tpu.region"() ({
      %run_scoped3A = tpu.sem_alloc : memref<!tpu.dma_semaphore, #tpu.memory_space<semaphore_mem>>
      %dma_start3A_114 = tpu.memref_slice %arg5[%multiple_of3A_85] : memref<320000xi32, #tpu.memory_space<hbm>> -> memref<16xi32, #tpu.memory_space<hbm>>
      %dma_start3A_115 = tpu.memref_slice %arg5[%multiple_of3A_85] : memref<320000xi32, #tpu.memory_space<hbm>> -> memref<16xi32, #tpu.memory_space<hbm>>
      tpu.enqueue_dma source(%dma_start3A_115 : memref<16xi32, #tpu.memory_space<hbm>>) target(%arg14 : memref<16xi32, #tpu.memory_space<vmem>>) target_semaphore(%run_scoped3A : memref<!tpu.dma_semaphore, #tpu.memory_space<semaphore_mem>>)
      %dma_wait3A_116 = tpu.memref_slice %arg5[%multiple_of3A_85] : memref<320000xi32, #tpu.memory_space<hbm>> -> memref<16xi32, #tpu.memory_space<hbm>>
      %dma_wait3A_117 = tpu.memref_slice %arg5[%multiple_of3A_85] : memref<320000xi32, #tpu.memory_space<hbm>> -> memref<16xi32, #tpu.memory_space<hbm>>
      tpu.wait_dma2 semaphore(%run_scoped3A : memref<!tpu.dma_semaphore, #tpu.memory_space<semaphore_mem>>) src(%dma_wait3A_117 : memref<16xi32, #tpu.memory_space<hbm>>) dst(%arg14 : memref<16xi32, #tpu.memory_space<vmem>>)
      tpu.yield
    }) : () -> ()
    "tpu.region"() ({
      %run_scoped3A = tpu.sem_alloc : memref<!tpu.dma_semaphore, #tpu.memory_space<semaphore_mem>>
      %dma_start3A_114 = tpu.memref_slice %arg6[%multiple_of3A_90] : memref<320000xi32, #tpu.memory_space<hbm>> -> memref<16xi32, #tpu.memory_space<hbm>>
      %dma_start3A_115 = tpu.memref_slice %arg6[%multiple_of3A_90] : memref<320000xi32, #tpu.memory_space<hbm>> -> memref<16xi32, #tpu.memory_space<hbm>>
      tpu.enqueue_dma source(%dma_start3A_115 : memref<16xi32, #tpu.memory_space<hbm>>) target(%arg15 : memref<16xi32, #tpu.memory_space<vmem>>) target_semaphore(%run_scoped3A : memref<!tpu.dma_semaphore, #tpu.memory_space<semaphore_mem>>)
      %dma_wait3A_116 = tpu.memref_slice %arg6[%multiple_of3A_90] : memref<320000xi32, #tpu.memory_space<hbm>> -> memref<16xi32, #tpu.memory_space<hbm>>
      %dma_wait3A_117 = tpu.memref_slice %arg6[%multiple_of3A_90] : memref<320000xi32, #tpu.memory_space<hbm>> -> memref<16xi32, #tpu.memory_space<hbm>>
      tpu.wait_dma2 semaphore(%run_scoped3A : memref<!tpu.dma_semaphore, #tpu.memory_space<semaphore_mem>>) src(%dma_wait3A_117 : memref<16xi32, #tpu.memory_space<hbm>>) dst(%arg15 : memref<16xi32, #tpu.memory_space<vmem>>)
      tpu.yield
    }) : () -> ()
    %dma_start3A_91 = arith.constant 0 : i32
    %dma_start3A_92 = arith.constant 0 : i32
    %dma_start3A_93 = tpu.memref_slice %arg2[%dma_start3A_91, %dma_start3A_92] : memref<10000x32xf32, #tpu.memory_space<hbm>> -> memref<10000x32xf32, #tpu.memory_space<hbm>>
    tpu.enqueue_indirect_dma source(%dma_start3A_93 : memref<10000x32xf32, #tpu.memory_space<hbm>>) target(%arg16 : memref<16x32xf32, #tpu.memory_space<vmem>>) offsets(%arg14 : memref<16xi32, #tpu.memory_space<vmem>>) semaphore(%arg19 : memref<!tpu.dma_semaphore, #tpu.memory_space<semaphore_mem>>)
    %dma_wait3A_94 = arith.constant 0 : i32
    %dma_wait3A_95 = arith.constant 0 : i32
    %dma_wait3A_96 = tpu.memref_slice %arg2[%dma_wait3A_94, %dma_wait3A_95] : memref<10000x32xf32, #tpu.memory_space<hbm>> -> memref<10000x32xf32, #tpu.memory_space<hbm>>
    tpu.wait_indirect_dma semaphore(%arg19 : memref<!tpu.dma_semaphore, #tpu.memory_space<semaphore_mem>>) src(%dma_wait3A_96 : memref<10000x32xf32, #tpu.memory_space<hbm>>) dst(%arg16 : memref<16x32xf32, #tpu.memory_space<vmem>>)
    "tpu.region"() ({
      %run_scoped3A = tpu.sem_alloc : memref<!tpu.dma_semaphore, #tpu.memory_space<semaphore_mem>>
      %dma_start3A_114 = arith.constant 0 : i32
      %dma_start3A_115 = arith.constant 0 : i32
      %dma_start3A_116 = tpu.memref_slice %arg17[%dma_start3A_114, %dma_start3A_115] : memref<10000x32xf32, #tpu.memory_space<vmem_shared>> -> memref<10000x32xf32, #tpu.memory_space<vmem_shared>>
      tpu.enqueue_indirect_dma source(%arg16 : memref<16x32xf32, #tpu.memory_space<vmem>>) target(%dma_start3A_116 : memref<10000x32xf32, #tpu.memory_space<vmem_shared>>) offsets(%arg15 : memref<16xi32, #tpu.memory_space<vmem>>) semaphore(%run_scoped3A : memref<!tpu.dma_semaphore, #tpu.memory_space<semaphore_mem>>) {add = true}
      %dma_wait3A_117 = arith.constant 0 : i32
      %dma_wait3A_118 = arith.constant 0 : i32
      %dma_wait3A_119 = tpu.memref_slice %arg17[%dma_wait3A_117, %dma_wait3A_118] : memref<10000x32xf32, #tpu.memory_space<vmem_shared>> -> memref<10000x32xf32, #tpu.memory_space<vmem_shared>>
      tpu.wait_indirect_dma semaphore(%run_scoped3A : memref<!tpu.dma_semaphore, #tpu.memory_space<semaphore_mem>>) src(%arg16 : memref<16x32xf32, #tpu.memory_space<vmem>>) dst(%dma_wait3A_119 : memref<10000x32xf32, #tpu.memory_space<vmem_shared>>)
      tpu.yield
    }) : () -> ()
    %barrier3A_97 = arith.constant 0 : index
    tpu.barrier barrier_id(%barrier3A_97)
    %mul3A_98 = arith.constant 32 : i32
    %mul3A_99 = arith.muli %arg0, %mul3A_98 : i32
    %mul3A_100 = arith.constant 624 : i32
    %mul3A_101 = arith.muli %arg1, %mul3A_100 : i32
    %multiple_of3A_102 = tpu.assume_multiple %mul3A_101, 8 : i32
    %multiple_of3A_103 = tpu.assume_multiple %mul3A_99, 8 : i32
    %lt3A_104 = arith.constant 15 : i32
    %lt3A_105 = arith.cmpi slt, %arg1, %lt3A_104 : i32
    %convert_element_type3A_106 = arith.extui %lt3A_105 : i1 to i32
    %cond3A_107 = arith.constant 0 : i32
    %cond3A_108 = arith.cmpi ne, %convert_element_type3A_106, %cond3A_107 : i32
    scf.if %cond3A_108 {
      "tpu.region"() ({
        %run_scoped3A = tpu.sem_alloc : memref<!tpu.dma_semaphore, #tpu.memory_space<semaphore_mem>>
        %dma_start3A_114 = tpu.memref_slice %arg8[%multiple_of3A_102, %multiple_of3A_103] : memref<10000x128xf32, #tpu.memory_space<hbm>> -> memref<624x32xf32, #tpu.memory_space<hbm>>
        %dma_start3A_115 = arith.constant 0 : i32
        %dma_start3A_116 = tpu.memref_slice %arg17[%multiple_of3A_102, %dma_start3A_115] : memref<10000x32xf32, #tpu.memory_space<vmem_shared>> -> memref<624x32xf32, #tpu.memory_space<vmem_shared>>
        tpu.enqueue_dma source(%dma_start3A_116 : memref<624x32xf32, #tpu.memory_space<vmem_shared>>) target(%dma_start3A_114 : memref<624x32xf32, #tpu.memory_space<hbm>>) target_semaphore(%run_scoped3A : memref<!tpu.dma_semaphore, #tpu.memory_space<semaphore_mem>>)
        %dma_wait3A_117 = tpu.memref_slice %arg8[%multiple_of3A_102, %multiple_of3A_103] : memref<10000x128xf32, #tpu.memory_space<hbm>> -> memref<624x32xf32, #tpu.memory_space<hbm>>
        %dma_wait3A_118 = arith.constant 0 : i32
        %dma_wait3A_119 = tpu.memref_slice %arg17[%multiple_of3A_102, %dma_wait3A_118] : memref<10000x32xf32, #tpu.memory_space<vmem_shared>> -> memref<624x32xf32, #tpu.memory_space<vmem_shared>>
        tpu.wait_dma2 semaphore(%run_scoped3A : memref<!tpu.dma_semaphore, #tpu.memory_space<semaphore_mem>>) src(%dma_wait3A_119 : memref<624x32xf32, #tpu.memory_space<vmem_shared>>) dst(%dma_wait3A_117 : memref<624x32xf32, #tpu.memory_space<hbm>>)
        tpu.yield
      }) : () -> ()
    } else {
    }
    %eq3A_109 = arith.constant 15 : i32
    %eq3A_110 = arith.cmpi eq, %arg1, %eq3A_109 : i32
    %convert_element_type3A_111 = arith.extui %eq3A_110 : i1 to i32
    %cond3A_112 = arith.constant 0 : i32
    %cond3A_113 = arith.cmpi ne, %convert_element_type3A_111, %cond3A_112 : i32
    scf.if %cond3A_113 {
      "tpu.region"() ({
        %run_scoped3A = tpu.sem_alloc : memref<!tpu.dma_semaphore, #tpu.memory_space<semaphore_mem>>
        %dma_start3A_114 = tpu.memref_slice %arg8[%multiple_of3A_102, %multiple_of3A_103] : memref<10000x128xf32, #tpu.memory_space<hbm>> -> memref<640x32xf32, #tpu.memory_space<hbm>>
        %dma_start3A_115 = arith.constant 0 : i32
        %dma_start3A_116 = tpu.memref_slice %arg17[%multiple_of3A_102, %dma_start3A_115] : memref<10000x32xf32, #tpu.memory_space<vmem_shared>> -> memref<640x32xf32, #tpu.memory_space<vmem_shared>>
        tpu.enqueue_dma source(%dma_start3A_116 : memref<640x32xf32, #tpu.memory_space<vmem_shared>>) target(%dma_start3A_114 : memref<640x32xf32, #tpu.memory_space<hbm>>) target_semaphore(%run_scoped3A : memref<!tpu.dma_semaphore, #tpu.memory_space<semaphore_mem>>)
        %dma_wait3A_117 = tpu.memref_slice %arg8[%multiple_of3A_102, %multiple_of3A_103] : memref<10000x128xf32, #tpu.memory_space<hbm>> -> memref<640x32xf32, #tpu.memory_space<hbm>>
        %dma_wait3A_118 = arith.constant 0 : i32
        %dma_wait3A_119 = tpu.memref_slice %arg17[%multiple_of3A_102, %dma_wait3A_118] : memref<10000x32xf32, #tpu.memory_space<vmem_shared>> -> memref<640x32xf32, #tpu.memory_space<vmem_shared>>
        tpu.wait_dma2 semaphore(%run_scoped3A : memref<!tpu.dma_semaphore, #tpu.memory_space<semaphore_mem>>) src(%dma_wait3A_119 : memref<640x32xf32, #tpu.memory_space<vmem_shared>>) dst(%dma_wait3A_117 : memref<640x32xf32, #tpu.memory_space<hbm>>)
        tpu.yield
      }) : () -> ()
    } else {
    }
    return
  }
}

module attributes {stable_mosaic.version = 14 : i64} {
  func.func @body(%arg0: memref<10000x128xf32, #tpu.memory_space<vmem>>, %arg1: memref<10000x128xf32, #tpu.memory_space<vmem>>, %arg2: memref<128x32xf32, #tpu.memory_space<vmem>>, %arg3: memref<1x32xf32, #tpu.memory_space<vmem>>, %arg4: memref<32x32xf32, #tpu.memory_space<vmem>>, %arg5: memref<1x32xf32, #tpu.memory_space<vmem>>, %arg6: memref<10000x32xf32, #tpu.memory_space<vmem>>) attributes {dimension_semantics = [], scalar_prefetch = 0 : i64, scratch_operands = 0 : i64, tpu.core_type = #tpu.core_type<tc>} {
    %get3A = arith.constant 0 : index
    %get3A_0 = arith.constant 0 : index
    %get3A_1 = vector.load %arg0[%get3A, %get3A_0] : memref<10000x128xf32, #tpu.memory_space<vmem>>, vector<10000x128xf32>
    %get3A_2 = arith.constant 0 : index
    %get3A_3 = arith.constant 0 : index
    %get3A_4 = vector.load %arg1[%get3A_2, %get3A_3] : memref<10000x128xf32, #tpu.memory_space<vmem>>, vector<10000x128xf32>
    %add3A = arith.addf %get3A_1, %get3A_4 : vector<10000x128xf32>
    %get3A_5 = arith.constant 0 : index
    %get3A_6 = arith.constant 0 : index
    %get3A_7 = vector.load %arg2[%get3A_5, %get3A_6] : memref<128x32xf32, #tpu.memory_space<vmem>>, vector<128x32xf32>
    %dot_general3A = arith.constant dense<0.000000e+00> : vector<10000x32xf32>
    %dot_general3A_8 = tpu.matmul %add3A, %get3A_7, %dot_general3A {dimension_numbers = #tpu.dot_dimension_numbers<[1], [0], [0], [1], [0, 0, 1, 1], [], []>, transpose_lhs_hint = false} : vector<10000x128xf32>, vector<128x32xf32>, vector<10000x32xf32> -> vector<10000x32xf32>
    %get3A_9 = arith.constant 0 : index
    %get3A_10 = arith.constant 0 : index
    %get3A_11 = vector.load %arg3[%get3A_9, %get3A_10] : memref<1x32xf32, #tpu.memory_space<vmem>>, vector<1x32xf32>
    %add3A_12 = vector.broadcast %get3A_11 : vector<1x32xf32> to vector<10000x32xf32>
    %add3A_13 = arith.addf %dot_general3A_8, %add3A_12 : vector<10000x32xf32>
    %max3A = arith.constant 0.000000e+00 : f32
    %max3A_14 = vector.broadcast %max3A : f32 to vector<10000x32xf32>
    %max3A_15 = arith.maximumf %add3A_13, %max3A_14 : vector<10000x32xf32>
    %get3A_16 = arith.constant 0 : index
    %get3A_17 = arith.constant 0 : index
    %get3A_18 = vector.load %arg4[%get3A_16, %get3A_17] : memref<32x32xf32, #tpu.memory_space<vmem>>, vector<32x32xf32>
    %dot_general3A_19 = arith.constant dense<0.000000e+00> : vector<10000x32xf32>
    %dot_general3A_20 = tpu.matmul %max3A_15, %get3A_18, %dot_general3A_19 {dimension_numbers = #tpu.dot_dimension_numbers<[1], [0], [0], [1], [0, 0, 1, 1], [], []>, transpose_lhs_hint = false} : vector<10000x32xf32>, vector<32x32xf32>, vector<10000x32xf32> -> vector<10000x32xf32>
    %get3A_21 = arith.constant 0 : index
    %get3A_22 = arith.constant 0 : index
    %get3A_23 = vector.load %arg5[%get3A_21, %get3A_22] : memref<1x32xf32, #tpu.memory_space<vmem>>, vector<1x32xf32>
    %add3A_24 = vector.broadcast %get3A_23 : vector<1x32xf32> to vector<10000x32xf32>
    %add3A_25 = arith.addf %dot_general3A_20, %add3A_24 : vector<10000x32xf32>
    %max3A_26 = arith.constant 0.000000e+00 : f32
    %max3A_27 = vector.broadcast %max3A_26 : f32 to vector<10000x32xf32>
    %max3A_28 = arith.maximumf %add3A_25, %max3A_27 : vector<10000x32xf32>
    %swap3A = arith.constant 0 : index
    %swap3A_29 = arith.constant 0 : index
    %swap3A_30 = vector.load %arg6[%swap3A, %swap3A_29] : memref<10000x32xf32, #tpu.memory_space<vmem>>, vector<10000x32xf32>
    tpu.vector_store %arg6[%swap3A, %swap3A_29], %max3A_28 {strides = array<i32>} : memref<10000x32xf32, #tpu.memory_space<vmem>>, vector<10000x32xf32>,
    return
  }
}

module attributes {stable_mosaic.version = 14 : i64} {
  func.func @body(%arg0: memref<10000x32xf32, #tpu.memory_space<vmem>>, %arg1: memref<10000x128xf32, #tpu.memory_space<vmem>>, %arg2: memref<32x32xf32, #tpu.memory_space<vmem>>, %arg3: memref<1x32xf32, #tpu.memory_space<vmem>>, %arg4: memref<32x32xf32, #tpu.memory_space<vmem>>, %arg5: memref<1x32xf32, #tpu.memory_space<vmem>>, %arg6: memref<32x1xf32, #tpu.memory_space<vmem>>, %arg7: memref<1x1xf32, #tpu.memory_space<vmem>>, %arg8: memref<10000x1xf32, #tpu.memory_space<vmem>>) attributes {dimension_semantics = [], scalar_prefetch = 0 : i64, scratch_operands = 0 : i64, tpu.core_type = #tpu.core_type<tc>} {
    %get3A = arith.constant 0 : index
    %get3A_0 = arith.constant 0 : index
    %get3A_1 = vector.load %arg1[%get3A, %get3A_0] : memref<10000x128xf32, #tpu.memory_space<vmem>>, vector<10000x128xf32>
    %get3A_2 = arith.constant 0 : index
    %get3A_3 = arith.constant 0 : index
    %get3A_4 = vector.load %arg0[%get3A_2, %get3A_3] : memref<10000x32xf32, #tpu.memory_space<vmem>>, vector<10000x32xf32>
    %slice3A = vector.extract_strided_slice %get3A_1 {offsets = [0, 0], sizes = [10000, 32], strides = [1, 1]} : vector<10000x128xf32> to vector<10000x32xf32>
    %slice3A_5 = vector.extract_strided_slice %get3A_1 {offsets = [0, 32], sizes = [10000, 32], strides = [1, 1]} : vector<10000x128xf32> to vector<10000x32xf32>
    %add3A = arith.addf %slice3A, %slice3A_5 : vector<10000x32xf32>
    %add3A_6 = arith.addf %get3A_4, %add3A : vector<10000x32xf32>
    %get3A_7 = arith.constant 0 : index
    %get3A_8 = arith.constant 0 : index
    %get3A_9 = vector.load %arg2[%get3A_7, %get3A_8] : memref<32x32xf32, #tpu.memory_space<vmem>>, vector<32x32xf32>
    %dot_general3A = arith.constant dense<0.000000e+00> : vector<10000x32xf32>
    %dot_general3A_10 = tpu.matmul %add3A_6, %get3A_9, %dot_general3A {dimension_numbers = #tpu.dot_dimension_numbers<[1], [0], [0], [1], [0, 0, 1, 1], [], []>, transpose_lhs_hint = false} : vector<10000x32xf32>, vector<32x32xf32>, vector<10000x32xf32> -> vector<10000x32xf32>
    %get3A_11 = arith.constant 0 : index
    %get3A_12 = arith.constant 0 : index
    %get3A_13 = vector.load %arg3[%get3A_11, %get3A_12] : memref<1x32xf32, #tpu.memory_space<vmem>>, vector<1x32xf32>
    %add3A_14 = vector.broadcast %get3A_13 : vector<1x32xf32> to vector<10000x32xf32>
    %add3A_15 = arith.addf %dot_general3A_10, %add3A_14 : vector<10000x32xf32>
    %max3A = arith.constant 0.000000e+00 : f32
    %max3A_16 = vector.broadcast %max3A : f32 to vector<10000x32xf32>
    %max3A_17 = arith.maximumf %add3A_15, %max3A_16 : vector<10000x32xf32>
    %get3A_18 = arith.constant 0 : index
    %get3A_19 = arith.constant 0 : index
    %get3A_20 = vector.load %arg4[%get3A_18, %get3A_19] : memref<32x32xf32, #tpu.memory_space<vmem>>, vector<32x32xf32>
    %dot_general3A_21 = arith.constant dense<0.000000e+00> : vector<10000x32xf32>
    %dot_general3A_22 = tpu.matmul %max3A_17, %get3A_20, %dot_general3A_21 {dimension_numbers = #tpu.dot_dimension_numbers<[1], [0], [0], [1], [0, 0, 1, 1], [], []>, transpose_lhs_hint = false} : vector<10000x32xf32>, vector<32x32xf32>, vector<10000x32xf32> -> vector<10000x32xf32>
    %get3A_23 = arith.constant 0 : index
    %get3A_24 = arith.constant 0 : index
    %get3A_25 = vector.load %arg5[%get3A_23, %get3A_24] : memref<1x32xf32, #tpu.memory_space<vmem>>, vector<1x32xf32>
    %add3A_26 = vector.broadcast %get3A_25 : vector<1x32xf32> to vector<10000x32xf32>
    %add3A_27 = arith.addf %dot_general3A_22, %add3A_26 : vector<10000x32xf32>
    %max3A_28 = arith.constant 0.000000e+00 : f32
    %max3A_29 = vector.broadcast %max3A_28 : f32 to vector<10000x32xf32>
    %max3A_30 = arith.maximumf %add3A_27, %max3A_29 : vector<10000x32xf32>
    %get3A_31 = arith.constant 0 : index
    %get3A_32 = arith.constant 0 : index
    %get3A_33 = vector.load %arg6[%get3A_31, %get3A_32] : memref<32x1xf32, #tpu.memory_space<vmem>>, vector<32x1xf32>
    %dot_general3A_34 = arith.constant dense<0.000000e+00> : vector<10000x1xf32>
    %dot_general3A_35 = tpu.matmul %max3A_30, %get3A_33, %dot_general3A_34 {dimension_numbers = #tpu.dot_dimension_numbers<[1], [0], [0], [1], [0, 0, 1, 1], [], []>, transpose_lhs_hint = false} : vector<10000x32xf32>, vector<32x1xf32>, vector<10000x1xf32> -> vector<10000x1xf32>
    %get3A_36 = arith.constant 0 : index
    %get3A_37 = arith.constant 0 : index
    %get3A_38 = vector.load %arg7[%get3A_36, %get3A_37] : memref<1x1xf32, #tpu.memory_space<vmem>>, vector<1x1xf32>
    %add3A_39 = vector.broadcast %get3A_38 : vector<1x1xf32> to vector<10000x1xf32>
    %add3A_40 = arith.addf %dot_general3A_35, %add3A_39 : vector<10000x1xf32>
    %swap3A = arith.constant 0 : index
    %swap3A_41 = arith.constant 0 : index
    %swap3A_42 = vector.load %arg8[%swap3A, %swap3A_41] : memref<10000x1xf32, #tpu.memory_space<vmem>>, vector<10000x1xf32>
    tpu.vector_store %arg8[%swap3A, %swap3A_41], %add3A_40 {strides = array<i32>} : memref<10000x1xf32, #tpu.memory_space<vmem>>, vector<10000x1xf32>,
    return
  }
}

</mosaic_0001>

<sc_bundles>
// kernel: kernel.6.cloned.1.call-start
scs
__scs_entry_jumppad:
0x0: {  	(pc) =	sbr.rel $0x88, $3  }
0x1: {  	(tag) =	ssettag $0x0;
	lr =	simm.s32 $0x1  }
0x2: {  	[smem:$0x3F95] =	sst lr;
	_ =	strace $0xD0000000  }
0x3: {  	_ = 	snop  }
0x4: {  	_ = 	snop  }
0x5: {  	_ = 	snop  }
0x6: {  	_ = 	snop  }
0x7: {  	_ = 	snop  }
__scs_overlays_trampoline_lowered:
0x8: {  	[smem:$0x3FA4] =	sst s0  }
0x9: {  	[smem:$0x3FA5] =	sst s1  }
0xa: {  	[smem:$0x3FA6] =	sst s2  }
0xb: {  	[smem:$0x3FA7] =	sst s3  }
0xc: {  	[smem:$0x3FA8] =	sst s4  }
0xd: {  	[smem:$0x3FA9] =	sst s5  }
0xe: {  	[smem:$0x3FAA] =	sst s6  }
0xf: {  	[smem:$0x3FAB] =	sst s7  }
0x10: {  	[smem:$0x3FAC] =	sst s8  }
0x11: {  	[smem:$0x3FAD] =	sst s9;
	s0 =	simm.s32 @!p0 $0x0  }
0x12: {  	s1 =	sld [smem:$0x3F93];
	s0 =	simm.s32 @p0 $0x1  }
0x13: {  	[smem:$0x3FAE] =	sst s0;
	s0 =	simm.s32 @!p1 $0x0  }
0x14: {  	s2 =	sld [smem:$0x3F92];
	s0 =	simm.s32 @p1 $0x1  }
0x15: {  	[smem:$0x3FAF] =	sst s0;
	s0 =	simm.s32 @!p2 $0x0  }
0x16: {  	s3 =	sld [smem:$0x3FDB];
	s0 =	simm.s32 @p2 $0x1  }
0x17: {  	s4 =	simm.s32 $0x1BF5;
	[smem:$0x3FB1] =	sst s0  }
0x18: {  	s0 =	sld [smem:$0x3F94];
	_ =	swait.ge [sflag:s4], $0x0  }
0x19: {  	s7 =	sld [smem:$0x3F95]  }
0x1a: {  	s8 =	sadd.s32 $0xFFFFE003, lr  }
0x1b: {  	s9 =	sadd.s32 $0xFFFFFEF7, lr;
	s5 =	simm.s32 $0xFFFFFFFF;
	p2 =	slt.u32 s8, $0xFFFFF086  }
0x1c: {  	p1 =	slt.u32 s9, $0xF7A;
	s5 =	simm.s32 @!p2 $0x0  }
0x1d: {  	s5 =	simm.s32 @p1 $0x1;
	p0 =	seq.s32 s7, s2  }
0x1e: {  	s7 =	smul.u32 @!p0 $0xF7A, s2;
	p2 =	seq.s32 @!p0 s5, $0x0  }
0x1f: {  	s9 =	smul.u32 $0xF7A, s1;
	s8 =	simm.s32 @!p0 $0x1BF5;
	p2 =	por !p2, p0  }
0x20: {  	[sflag:s8] =	ssyncset.s32 @!p0 $0xFFFFF086;
	s6 =	sadd.s32 @!p0 s3, s7;
	s7 =	simm.s32 @!p0 $0x108  }
0x21: {  	s3 =	sadd.s32 s3, s9;
	s6 =	sadd.s32 @!p0 $0x88, s6;
	s7 =	simm.s32 @p2 $0x1082  }
0x22: {  	[simem:s7], [sflag:s8] =	dma.local @!p0 [hbm:s6], $0xF7A  }
0x23: {  	s9 =	sor.u32 $0xD0000000, s2;
	s6 =	simm.s32 $0x108;
	_ =	swait.ge @!p0 [sflag:s8], $0x0  }
0x24: {  	s3 =	sadd.s32 $0x88, s3;
	s6 =	simm.s32 @!p1 $0x1082;
	[sflag:s4] =	ssyncset.s32 $0xFFFFF086  }
0x25: {  	[simem:s6], [sflag:s4] =	dma.local [hbm:s3], $0xF7A  }
0x26: {  	[smem:$0x3F95] =	sst s1;
	(tag) =	ssettag s2;
	_ =	strace s9  }
0x27: {  	s1 =	sld [smem:$0x3FA5]  }
0x28: {  	s2 =	sld [smem:$0x3FA6]  }
0x29: {  	s4 =	sld [smem:$0x3FA8]  }
0x2a: {  	p0 =	seq.s32 s5, $0x0;
	s5 =	sld [smem:$0x3FA9]  }
0x2b: {  	s6 =	sld [smem:$0x3FAA]  }
0x2c: {  	s7 =	sld [smem:$0x3FAB]  }
0x2d: {  	s3 =	simm.s32 $0x108;
	s8 =	sld [smem:$0x3FAC]  }
0x2e: {  	s3 =	simm.s32 @!p0 $0x1082;
	s9 =	sld [smem:$0x3FAD]  }
0x2f: {  	lr =	sadd.s32 s0, s3;
	s0 =	sld [smem:$0x3FA4]  }
0x30: {  	s3 =	sld [smem:$0x3FA7]  }
0x31: {  	[smem:$0x3FB0] =	sst s10  }
0x32: {  	s10 =	sld [smem:$0x3FAE];
	_ =	sdelay $0x3  }
0x33: {  	p0 =	seq.s32 s10, $0x1;
	s10 =	sld [smem:$0x3FB0];
	_ =	sdelay $0x3  }
0x34: {  	[smem:$0x3FB0] =	sst s10  }
0x35: {  	s10 =	sld [smem:$0x3FAF];
	_ =	sdelay $0x3  }
0x36: {  	p1 =	seq.s32 s10, $0x1;
	s10 =	sld [smem:$0x3FB0];
	_ =	sdelay $0x3  }
0x37: {  	[smem:$0x3FB0] =	sst s10  }
0x38: {  	s10 =	sld [smem:$0x3FB1]  }
0x39: {  	_ = 	snop;
	(pc) =	sbr.ind lr, $3  }
0x3a: {  	_ = 	snop  }
0x3b: {  	_ = 	snop  }
0x3c: {  	p2 =	seq.s32 s10, $0x1;
	s10 =	sld [smem:$0x3FB0]  }
0x3d: {  	_ =	shalt  }
0x3e: {  	_ =	shalt  }
0x3f: {  	_ =	shalt  }
0x40: {  	_ =	shalt  }
0x41: {  	_ =	shalt  }
0x42: {  	_ =	shalt  }
0x43: {  	_ =	shalt  }
0x44: {  	_ =	shalt  }
0x45: {  	_ =	shalt  }
0x46: {  	_ =	shalt  }
0x47: {  	_ =	shalt  }
0x48: {  	_ =	shalt  }
0x49: {  	_ =	shalt  }
0x4a: {  	_ =	shalt  }
0x4b: {  	_ =	shalt  }
0x4c: {  	_ =	shalt  }
0x4d: {  	_ =	shalt  }
0x4e: {  	_ =	shalt  }
0x4f: {  	_ =	shalt  }
0x50: {  	_ =	shalt  }
0x51: {  	_ =	shalt  }
0x52: {  	_ =	shalt  }
0x53: {  	_ =	shalt  }
0x54: {  	_ =	shalt  }
0x55: {  	_ =	shalt  }
0x56: {  	_ =	shalt  }
0x57: {  	_ =	shalt  }
0x58: {  	_ =	shalt  }
0x59: {  	_ =	shalt  }
0x5a: {  	_ =	shalt  }
0x5b: {  	_ =	shalt  }
0x5c: {  	_ =	shalt  }
0x5d: {  	_ =	shalt  }
0x5e: {  	_ =	shalt  }
0x5f: {  	_ =	shalt  }
0x60: {  	_ =	shalt  }
0x61: {  	_ =	shalt  }
0x62: {  	_ =	shalt  }
0x63: {  	_ =	shalt  }
0x64: {  	_ =	shalt  }
0x65: {  	_ =	shalt  }
0x66: {  	_ =	shalt  }
0x67: {  	_ =	shalt  }
0x68: {  	_ =	shalt  }
0x69: {  	_ =	shalt  }
0x6a: {  	_ =	shalt  }
0x6b: {  	_ =	shalt  }
0x6c: {  	_ =	shalt  }
0x6d: {  	_ =	shalt  }
0x6e: {  	_ =	shalt  }
0x6f: {  	_ =	shalt  }
0x70: {  	_ =	shalt  }
0x71: {  	_ =	shalt  }
0x72: {  	_ =	shalt  }
0x73: {  	_ =	shalt  }
0x74: {  	_ =	shalt  }
0x75: {  	_ =	shalt  }
0x76: {  	_ =	shalt  }
0x77: {  	_ =	shalt  }
0x78: {  	_ =	shalt  }
0x79: {  	_ =	shalt  }
0x7a: {  	_ =	shalt  }
0x7b: {  	_ =	shalt  }
0x7c: {  	_ =	shalt  }
0x7d: {  	_ =	shalt  }
0x7e: {  	_ =	shalt  }
0x7f: {  	_ =	shalt  }
0x80: {  	_ =	shalt  }
0x81: {  	_ =	shalt  }
0x82: {  	_ =	shalt  }
0x83: {  	_ =	shalt  }
0x84: {  	_ =	shalt  }
0x85: {  	_ =	shalt  }
0x86: {  	_ =	shalt  }
0x87: {  	_ =	shalt  }
.Lfunc_end0:
.L_simem_size_0:
called_computation_lowered:
.L_overlay_start_0:
0x88: {  	s2 =	sld [smem:$0x3FD9]  }
0x89: {  	s3 =	sld [smem:$0x3FFE];
	_ =	sdelay $0x1  }
0x8a: {  	s1 =	srdreg.scid  }
0x8b: {  	s0 =	sand.u32 $0x1, s1  }
0x8c: {  	s17 =	sshll.u32 s0, $0xA;
	s2 =	sadd.s32 s3, s2  }
0x8d: {  	s2 =	sadd.s32 s2, s17  }
0x8e: {  	[smem:$0x3FBC] =	sst s2  }
0x8f: {  	_ = 	snop  }
0x90: {  	s2 =	sld [smem:$0x3FC9];
	(tm) =	ssettm $0x1  }
0x91: {  	s18 =	sld [smem:$0x3FFB];
	_ =	sdelay $0x3  }
0x92: {  	_ =	strace s18  }
0x93: {  	s3 =	sld [smem:$0x3FFC];
	_ =	sdelay $0x3  }
0x94: {  	_ =	strace s3  }
0x95: {  	s3 =	sld [smem:$0x3FFD];
	_ =	sdelay $0x3  }
0x96: {  	_ =	strace s3  }
0x97: {  	_ =	strace $0x8FFFFFFF  }
0x98: {  	s19 =	sld [smem:$0x3FDB];
	_ =	sdelay $0x1  }
0x99: {  	s4 =	simm.s32 $_scs_section_size  }
0x9a: {  	s5 =	simm.s32 $_size__tile_overlayer_lowered;
	s6 =	simm.s32 $_tile_overlayer_lowered  }
0x9b: {  	s22 =	simm.s32 $0x1BFF;
	s21 =	sshll.u32 s6, $0x1;
	s3 =	sadd.s32 s4, s19  }
0x9c: {  	s7 =	simm.s32 $0x0;
	s20 =	sshll.u32 s5, $0x1;
	s5 =	sadd.s32 s21, s3  }
0x9d: {  	[timem:s7], [sflag:s22] =	dma.local [hbm:s5], s20  }
0x9e: {  	_ =	swait.ge [sflag:s22], s20  }
0x9f: {  	s4 =	ssub.s32 $0x0, s20;
	[sflag:s22] =	ssyncset.done $0x0  }
0xa0: {  	[sflag:s22] =	ssyncadd.s32 s4;
	_ =	sdelay $0x1  }
0xa1: {  	s23 =	simm.s32 $0x1B8B  }
0xa2: {  	_ =	swait.ge [sflag:s23], $0x1  }
0xa3: {  	[sflag:s23] =	ssyncset.done $0x0  }
0xa4: {  	s25 =	simm.s32 $0x1B8E;
	s24 =	sld [smem:$0x3FFE];
	[sflag:s23] =	ssyncadd.s32 $0xFFFFFFFF  }
0xa5: {  	s26 =	simm.s32 $execute0_lowered;
	[smem:$0x3FD2] =	sst s25  }
0xa6: {  	s5 =	sshll.u32 s26, $0x1;
	_ =	strace $0x80000046;
	[dreg:$0x1] =	wrdreg $0xFFFFFFFF  }
0xa7: {  	s28 =	simm.s32 $_size_execute0_lowered;
	s3 =	sadd.s32 s3, s5;
	[dreg:$0x0] =	wrdreg $0x0  }
0xa8: {  	s5 =	sshll.u32 s28, $0x1;
	[dreg:$0x2] =	wrdreg s3  }
0xa9: {  	[dreg:$0x3] =	wrdreg s5  }
0xaa: {  	[dreg:$0x4] =	wrdreg $0xC0  }
0xab: {  	_ =	task [dreg:s7], $0x5FFFF  }
0xac: {  	[dreg:$0x1] =	wrdreg $0xFFFFFFFF  }
0xad: {  	[dreg:$0x0] =	wrdreg $0x60  }
0xae: {  	[dreg:$0x2] =	wrdreg s2  }
0xaf: {  	[dreg:$0x3] =	wrdreg s24  }
0xb0: {  	[dreg:$0x4] =	wrdreg $0x104400  }
0xb1: {  	[dreg:$0x5] =	wrdreg $0x9  }
0xb2: {  	_ =	task.clear_ibuf [dreg:s7], $0x6FFFF;
	_ =	strace $0x90000046  }
0xb3: {  	s29 =	simm.s32 $0x9;
	_ =	strace $0x80000048  }
0xb4: {  	_ =	swait.ge [sflag:s29], $0x1  }
0xb5: {  	[sflag:s29] =	ssyncadd.s32 $0xFFFFFFFF  }
0xb6: {  	_ =	strace $0x90000048  }
0xb7: {  	_ =	sfence  }
0xb8: {  	s30 =	sld [smem:$0x0];
	_ =	sdelay $0x2  }
0xb9: {  	s31 =	sshll.u32 s1, $0xD;
	s1 =	sshrl.u32 s1, $0x2  }
0xba: {  	s3 =	sand.u32 $0x4000, s31;
	s1 =	sadd.s32 s1, s30  }
0xbb: {  	s0 =	sor.u32 s3, s0;
	s1 =	sshll.u32 s1, $0x11  }
0xbc: {  	s0 =	sor.u32 s1, s0  }
0xbd: {  	s0 =	sadd.s32 $0x8F2B, s0  }
0xbe: {  	[sflag:s0] =	ssyncadd.remote.s32 $0x1  }
0xbf: {  	_ =	sfence.sel $0xFFFF  }
0xc0: {  	[dreg:$0x0] =	wrdreg $0xFFFFFFFF;
	(pc) =	sbr.abs _section_cstart, $3  }
0xc1: {  	[dreg:$0x1] =	wrdreg $0xFFFFFFFF  }
0xc2: {  	_ =	task.clear_ibuf [dreg:s7], $0x2FFFF;
	_ =	strace $0x9FFFFFFF  }
0xc3: {  	(tm) =	ssettm $0x7FFFFFFF  }
tec
execute0_lowered:
.L_overlay_start_1:
0x0: {  	(tag) =	ssettag $0x1  }
0x1: {  	s2 =	rddreg [dreg:$0x0]  }
0x2: {  	s0 =	srdreg.scid;
	s5 =	rddreg [dreg:$0x1]  }
0x3: {  	s16 =	stileid.u32;
	s3 =	rddreg [dreg:$0x2];
	s4 =	simm.s32 $0x0  }
0x4: {  	s18 =	simm.s32 $0x1;
	s19 =	simm.s32 $0x80;
	s6 =	smul.u32 $0x4E20, s16  }
0x5: {  	s20 =	simm.s32 $0x9C00;
	s28 =	simm.s32 $0x5;
	s8 =	smul.u32 $0x9C0, s16  }
0x6: {  	s31 =	simm.s32 $0x4;
	s29 =	simm.s32 $0x7;
	s9 =	smul.u32 $0x9C00, s16  }
0x7: {  	s30 =	simm.s32 $0x8;
	s0 =	sand.u32 $0x1, s0;
	s23 =	smul.u32 $0x13800, s16  }
0x8: {  	[smem:$0x7FF] =	sst s4;
	s13 =	sadd.s32 $0x5A400, s5;
	s25 =	smul.u32 $0x27000, s16  }
0x9: {  	p0 =	seq.s32 s16, $0xF;
	s1 =	sshll.u32 s0, $0x4;
	s7 =	smul.u32 $0x4E200, s0  }
0xa: {  	_ =	strace $0x80000047;
	s10 =	ssub.s32 $0x2, s0;
	s24 =	sshll.u32 s0, $0x6  }
0xb: {  	s0 =	sshll.u32 s0, $0x3;
	s1 =	sor.u32 s16, s1;
	s6 =	sadd.s32 $0x4E00, s6  }
0xc: {  	s8 =	sadd.s32 s8, s5;
	s11 =	sshrl.u32 s9, $0x3;
	s12 =	sshrl.u32 s10, $0x1  }
0xd: {  	s26 =	sshrl.u32 s25, $0x2;
	s0 =	sadd.s32 s0, s13;
	s1 =	smul.u32 $0x9C0, s1  }
0xe: {  	s7 =	sadd.s32 s7, s6;
	s6 =	sshrl.u32 s6, $0x3;
	s11 =	sadd.s32 s11, s5  }
0xf: {  	s14 =	ssub.s32 s10, s12;
	s21 =	sadd.s32 $0x29400, s8;
	s8 =	sadd.s32 $0x92400, s3  }
0x10: {  	s12 =	sadd.s32 $0x24900, s0;
	s0 =	sshll.u32 @!p0 s16, $0x6;
	s7 =	sshrl.u32 s7, $0x3  }
0x11: {  	s6 =	sadd.s32 s6, s5;
	[dreg:$0x5] =	wrdreg s21;
	s22 =	sadd.s32 $0x46A00, s11  }
0x12: {  	s15 =	sshrl.u32 @p0 s8, $0x3;
	s16 =	sor.u32 @!p0 $0x1C08, s0;
	s21 =	simm.s32 $0xBC00  }
0x13: {  	s0 =	simm.s32 $0xFC20;
	s1 =	sadd.s32 s1, s5;
	s7 =	sadd.s32 s7, s5  }
0x14: {  	[dreg:$0x6] =	wrdreg s22;
	s5 =	sadd.s32 $0x58E80, s5;
	s6 =	sadd.s32 $0x2000, s6  }
0x15: {  	s22 =	simm.s32 $0x2;
	s1 =	sadd.s32 $0x15C00, s1;
	[dreg:$0x7] =	wrdreg s5  }
0x16: {  	s7 =	sadd.s32 $0x33000, s7;
	[dreg:$0x9] =	wrdreg s6;
	s5 =	sor.u32 s24, s23  }
0x17: {  	s24 =	simm.s32 $0xDC00;
	s23 =	simm.s32 $0xFC00;
	s6 =	simm.s32 $0xFC40  }
0x18: {  	[dreg:$0x4] =	wrdreg s1;
	s1 =	sadd.s32 s9, s3;
	s5 =	sshrl.u32 s5, $0x3  }
0x19: {  	[dreg:$0x8] =	wrdreg s7;
	s7 =	simm.s32 $0x0;
	s5 =	sadd.s32 s13, s5  }
0x1a: {  	s13 =	smax.u32 s14, $0x1;
	s14 =	simm.s32 $0x4E00;
	s17 =	sshrl.u32 @!p0 s1, $0x3  }
0x1b: {  	s1 =	simm.s32 $0x6;
	[dreg:$0xa] =	wrdreg s5;
	s5 =	sadd.s32 s26, s3  }
0x1c: {  	s26 =	simm.s32 $0x3;
	s25 =	sshrl.u32 @!p0 s5, $0x3;
	s5 =	simm.s32 $0x20  }
.LBB2_1:
0x1d: {  	s8 =	rddreg [dreg:$0x4]  }
0x1e: {  	s10 =	rddreg [dreg:$0x5]  }
0x1f: {  	[tilespmem:s4], [sflag:$0x1] =	stream.linear.gather [hbm4b:s8+s4], $0x4E00, $0x38;
	[tilespmem:$0x1A080] =	vst v63  }
0x20: {  	s9 =	rddreg [dreg:$0x7];
	s8 =	simm.s32 @p0 $0x1FC8  }
0x21: {  	[tilespmem:s14], [sflag:$0x1] =	stream.linear.gather [hbm4b:s10+s4], $0x4E00, $0x38;
	[tilespmem:$0x1A080] =	vst v63  }
0x22: {  	[spmem:s15], [sflag:s8] =	dma.local @p0 [hbm:s9], $0x1400  }
0x23: {  	s8 =	simm.s32 @p0 $0x8  }
0x24: {  	_ =	swait.ge @p0 [sflag:s8], $0x1400  }
0x25: {  	[sflag:s8] =	ssyncset.done @p0 $0x0  }
0x26: {  	[sflag:s8] =	ssyncadd.s32 @p0 $0xFFFFEC00;
	s8 =	rddreg [dreg:$0x6]  }
0x27: {  	[spmem:s17], [sflag:s16] =	dma.local @!p0 [hbm:s8], $0x1380  }
0x28: {  	s8 =	simm.s32 @!p0 $0x8  }
0x29: {  	_ =	swait.ge @!p0 [sflag:s8], $0x1380  }
0x2a: {  	[sflag:s8] =	ssyncset.done @!p0 $0x0  }
0x2b: {  	[sflag:s8] =	ssyncadd.s32 @!p0 $0xFFFFEC80  }
0x2c: {  	[bflag:$0x0] =	sbarrier.arrive $0xFFFF  }
0x2d: {  	_ =	swait.ge [sflag:s18], $0x4E00  }
0x2e: {  	[sflag:s18] =	ssyncset.done $0x0  }
0x2f: {  	[sflag:s18] =	ssyncadd.s32 $0xFFFFB200  }
0x30: {  	_ =	swait.ge [sflag:s18], $0x4E00  }
0x31: {  	[sflag:s18] =	ssyncset.done $0x0  }
0x32: {  	[sflag:s18] =	ssyncadd.s32 $0xFFFFB200  }
0x33: {  	[tilespmem:s20], [sflag:$0x2] =	stream.indirect.gather [hbm4b:s2+s19], $0x40, s4, s19, $0xb8;
	[tilespmem:$0x1A080] =	vst v63  }
0x34: {  	_ = 	snop  }
0x35: {  	[tilespmem:s21], [sflag:$0x3] =	stream.indirect.gather [hbm4b:s2+s19], $0x40, s19, s19, $0xb8;
	[tilespmem:$0x1A080] =	vst v63  }
0x36: {  	_ =	swait.ge [sflag:s22], $0x2000  }
0x37: {  	[sflag:s22] =	ssyncset.done $0x0  }
0x38: {  	s11 =	simm.s32 $0x100;
	[sflag:s22] =	ssyncadd.s32 $0xFFFFE000  }
0x39: {  	[tilespmem:s24], [sflag:$0x4] =	stream.indirect.gather [hbm4b:s2+s19], $0x40, s11, s19, $0xb8;
	[tilespmem:$0x1A080] =	vst v63  }
0x3a: {  	_ = 	snop  }
0x3b: {  	[spmem:s3] =	stream.indirect.scatter.add.f32 [tilespmem:s20], [sflag:$0x5], $0x40, s14, s19, $0xb8;
	[tilespmem:$0x1A080] =	vst v63  }
0x3c: {  	_ =	swait.ge [sflag:s26], $0x2000  }
0x3d: {  	[sflag:s26] =	ssyncset.done $0x0  }
0x3e: {  	[sflag:s26] =	ssyncadd.s32 $0xFFFFE000  }
0x3f: {  	_ =	swait.ge [sflag:s28], $0x2000  }
0x40: {  	[sflag:s28] =	ssyncset.done $0x0  }
0x41: {  	s9 =	simm.s32 $0x180;
	[sflag:s28] =	ssyncadd.s32 $0xFFFFE000  }
0x42: {  	[tilespmem:s20], [sflag:$0x2] =	stream.indirect.gather [hbm4b:s2+s19], $0x40, s9, s19, $0xb8;
	[tilespmem:$0x1A080] =	vst v63  }
0x43: {  	s10 =	simm.s32 $0x4E80  }
0x44: {  	[spmem:s3] =	stream.indirect.scatter.add.f32 [tilespmem:s21], [sflag:$0x6], $0x40, s10, s19, $0xb8;
	[tilespmem:$0x1A080] =	vst v63  }
0x45: {  	_ =	swait.ge [sflag:s31], $0x2000  }
0x46: {  	[sflag:s31] =	ssyncset.done $0x0  }
0x47: {  	[sflag:s31] =	ssyncadd.s32 $0xFFFFE000  }
0x48: {  	_ =	swait.ge [sflag:s1], $0x2000  }
0x49: {  	[sflag:s1] =	ssyncset.done $0x0  }
0x4a: {  	s11 =	simm.s32 $0x200;
	[sflag:s1] =	ssyncadd.s32 $0xFFFFE000  }
0x4b: {  	[tilespmem:s21], [sflag:$0x3] =	stream.indirect.gather [hbm4b:s2+s19], $0x40, s11, s19, $0xb8;
	[tilespmem:$0x1A080] =	vst v63  }
0x4c: {  	s9 =	simm.s32 $0x4F00  }
0x4d: {  	[spmem:s3] =	stream.indirect.scatter.add.f32 [tilespmem:s24], [sflag:$0x7], $0x40, s9, s19, $0xb8;
	[tilespmem:$0x1A080] =	vst v63  }
0x4e: {  	_ =	swait.ge [sflag:s22], $0x2000  }
0x4f: {  	[sflag:s22] =	ssyncset.done $0x0  }
0x50: {  	[sflag:s22] =	ssyncadd.s32 $0xFFFFE000  }
0x51: {  	_ =	swait.ge [sflag:s29], $0x2000  }
0x52: {  	[sflag:s29] =	ssyncset.done $0x0  }
0x53: {  	s10 =	simm.s32 $0x280;
	[sflag:s29] =	ssyncadd.s32 $0xFFFFE000  }
0x54: {  	[tilespmem:s24], [sflag:$0x4] =	stream.indirect.gather [hbm4b:s2+s19], $0x40, s10, s19, $0xb8;
	[tilespmem:$0x1A080] =	vst v63  }
0x55: {  	s11 =	simm.s32 $0x4F80  }
0x56: {  	[spmem:s3] =	stream.indirect.scatter.add.f32 [tilespmem:s20], [sflag:$0x5], $0x40, s11, s19, $0xb8;
	[tilespmem:$0x1A080] =	vst v63  }
0x57: {  	_ =	swait.ge [sflag:s26], $0x2000  }
0x58: {  	[sflag:s26] =	ssyncset.done $0x0  }
0x59: {  	[sflag:s26] =	ssyncadd.s32 $0xFFFFE000  }
0x5a: {  	_ =	swait.ge [sflag:s28], $0x2000  }
0x5b: {  	[sflag:s28] =	ssyncset.done $0x0  }
0x5c: {  	s9 =	simm.s32 $0x300;
	[sflag:s28] =	ssyncadd.s32 $0xFFFFE000  }
0x5d: {  	[tilespmem:s20], [sflag:$0x2] =	stream.indirect.gather [hbm4b:s2+s19], $0x40, s9, s19, $0xb8;
	[tilespmem:$0x1A080] =	vst v63  }
0x5e: {  	s10 =	simm.s32 $0x5000  }
0x5f: {  	[spmem:s3] =	stream.indirect.scatter.add.f32 [tilespmem:s21], [sflag:$0x6], $0x40, s10, s19, $0xb8;
	[tilespmem:$0x1A080] =	vst v63  }
0x60: {  	_ =	swait.ge [sflag:s31], $0x2000  }
0x61: {  	[sflag:s31] =	ssyncset.done $0x0  }
0x62: {  	[sflag:s31] =	ssyncadd.s32 $0xFFFFE000  }
0x63: {  	_ =	swait.ge [sflag:s1], $0x2000  }
0x64: {  	[sflag:s1] =	ssyncset.done $0x0  }
0x65: {  	s11 =	simm.s32 $0x380;
	[sflag:s1] =	ssyncadd.s32 $0xFFFFE000  }
0x66: {  	[tilespmem:s21], [sflag:$0x3] =	stream.indirect.gather [hbm4b:s2+s19], $0x40, s11, s19, $0xb8;
	[tilespmem:$0x1A080] =	vst v63  }
0x67: {  	s9 =	simm.s32 $0x5080  }
0x68: {  	[spmem:s3] =	stream.indirect.scatter.add.f32 [tilespmem:s24], [sflag:$0x7], $0x40, s9, s19, $0xb8;
	[tilespmem:$0x1A080] =	vst v63  }
0x69: {  	_ =	swait.ge [sflag:s22], $0x2000  }
0x6a: {  	[sflag:s22] =	ssyncset.done $0x0  }
0x6b: {  	[sflag:s22] =	ssyncadd.s32 $0xFFFFE000  }
0x6c: {  	_ =	swait.ge [sflag:s29], $0x2000  }
0x6d: {  	[sflag:s29] =	ssyncset.done $0x0  }
0x6e: {  	s10 =	simm.s32 $0x400;
	[sflag:s29] =	ssyncadd.s32 $0xFFFFE000  }
0x6f: {  	[tilespmem:s24], [sflag:$0x4] =	stream.indirect.gather [hbm4b:s2+s19], $0x40, s10, s19, $0xb8;
	[tilespmem:$0x1A080] =	vst v63  }
0x70: {  	s11 =	simm.s32 $0x5100  }
0x71: {  	[spmem:s3] =	stream.indirect.scatter.add.f32 [tilespmem:s20], [sflag:$0x5], $0x40, s11, s19, $0xb8;
	[tilespmem:$0x1A080] =	vst v63  }
0x72: {  	_ =	swait.ge [sflag:s26], $0x2000  }
0x73: {  	s8 =	simm.s32 $0x600;
	[sflag:s26] =	ssyncset.done $0x0  }
.LBB2_2:
0x74: {  	[sflag:s26] =	ssyncadd.s32 $0xFFFFE000;
	s9 =	smov.u32 s8;
	s8 =	sadd.s32 $0x600, s8  }
0x75: {  	p1 =	sne.s32 s8, $0x12C00  }
0x76: {  	_ =	swait.ge [sflag:s28], $0x2000  }
0x77: {  	s9 =	sshra.s32 s9, $0x2;
	[sflag:s28] =	ssyncset.done $0x0  }
0x78: {  	s10 =	sadd.s32 $0x300, s9;
	[sflag:s28] =	ssyncadd.s32 $0xFFFFE000  }
0x79: {  	[tilespmem:s20], [sflag:$0x2] =	stream.indirect.gather [hbm4b:s2+s19], $0x40, s10, s19, $0xb8;
	[tilespmem:$0x1A080] =	vst v63  }
0x7a: {  	s10 =	sadd.s32 $0x5000, s9  }
0x7b: {  	[spmem:s3] =	stream.indirect.scatter.add.f32 [tilespmem:s21], [sflag:$0x6], $0x40, s10, s19, $0xb8;
	[tilespmem:$0x1A080] =	vst v63  }
0x7c: {  	_ =	swait.ge [sflag:s31], $0x2000  }
0x7d: {  	[sflag:s31] =	ssyncset.done $0x0  }
0x7e: {  	[sflag:s31] =	ssyncadd.s32 $0xFFFFE000  }
0x7f: {  	_ =	swait.ge [sflag:s1], $0x2000  }
0x80: {  	[sflag:s1] =	ssyncset.done $0x0  }
0x81: {  	s10 =	sadd.s32 $0x380, s9;
	[sflag:s1] =	ssyncadd.s32 $0xFFFFE000  }
0x82: {  	[tilespmem:s21], [sflag:$0x3] =	stream.indirect.gather [hbm4b:s2+s19], $0x40, s10, s19, $0xb8;
	[tilespmem:$0x1A080] =	vst v63  }
0x83: {  	s10 =	sadd.s32 $0x5080, s9  }
0x84: {  	[spmem:s3] =	stream.indirect.scatter.add.f32 [tilespmem:s24], [sflag:$0x7], $0x40, s10, s19, $0xb8;
	[tilespmem:$0x1A080] =	vst v63  }
0x85: {  	_ =	swait.ge [sflag:s22], $0x2000  }
0x86: {  	[sflag:s22] =	ssyncset.done $0x0  }
0x87: {  	[sflag:s22] =	ssyncadd.s32 $0xFFFFE000  }
0x88: {  	_ =	swait.ge [sflag:s29], $0x2000  }
0x89: {  	[sflag:s29] =	ssyncset.done $0x0  }
0x8a: {  	s10 =	sadd.s32 $0x400, s9;
	[sflag:s29] =	ssyncadd.s32 $0xFFFFE000  }
0x8b: {  	[tilespmem:s24], [sflag:$0x4] =	stream.indirect.gather [hbm4b:s2+s19], $0x40, s10, s19, $0xb8;
	[tilespmem:$0x1A080] =	vst v63  }
.Ltmp0:
0x8c: {  	_ = 	snop;
	(pc) =	sbr.rel @p1 .LBB2_2-.Ltmp0, $4  }
0x8d: {  	s9 =	sadd.s32 $0x5100, s9  }
0x8e: {  	[spmem:s3] =	stream.indirect.scatter.add.f32 [tilespmem:s20], [sflag:$0x5], $0x40, s9, s19, $0xb8;
	[tilespmem:$0x1A080] =	vst v63  }
0x8f: {  	_ =	swait.ge [sflag:s26], $0x2000  }
0x90: {  	[sflag:s26] =	ssyncset.done $0x0  }
0x91: {  	s8 =	sshra.s32 s8, $0x2  }
0x92: {  	[sflag:s26] =	ssyncadd.s32 $0xFFFFE000;
	s9 =	sadd.s32 $0x5000, s8  }
0x93: {  	[spmem:s3] =	stream.indirect.scatter.add.f32 [tilespmem:s21], [sflag:$0x6], $0x40, s9, s19, $0xb8;
	[tilespmem:$0x1A080] =	vst v63  }
0x94: {  	_ =	swait.ge [sflag:s31], $0x2000  }
0x95: {  	[sflag:s31] =	ssyncset.done $0x0  }
0x96: {  	s8 =	sadd.s32 $0x5080, s8;
	[sflag:s31] =	ssyncadd.s32 $0xFFFFE000  }
0x97: {  	[spmem:s3] =	stream.indirect.scatter.add.f32 [tilespmem:s24], [sflag:$0x7], $0x40, s8, s19, $0xb8;
	[tilespmem:$0x1A080] =	vst v63  }
0x98: {  	_ =	swait.ge [sflag:s28], $0x2000  }
0x99: {  	[sflag:s28] =	ssyncset.done $0x0  }
0x9a: {  	[sflag:s28] =	ssyncadd.s32 $0xFFFFE000  }
0x9b: {  	_ =	swait.ge [sflag:s1], $0x2000  }
0x9c: {  	[sflag:s1] =	ssyncset.done $0x0  }
0x9d: {  	[sflag:s1] =	ssyncadd.s32 $0xFFFFE000  }
0x9e: {  	_ =	swait.ge [sflag:s29], $0x2000  }
0x9f: {  	[sflag:s29] =	ssyncset.done $0x0  }
0xa0: {  	s10 =	rddreg [dreg:$0x8];
	[sflag:s29] =	ssyncadd.s32 $0xFFFFE000  }
0xa1: {  	[tilespmem:s23], [sflag:$0x8] =	stream.linear.gather [hbm4b:s10+s4], $0x20, $0x38;
	[tilespmem:$0x1A080] =	vst v63  }
0xa2: {  	_ =	swait.ge [sflag:s30], $0x20  }
0xa3: {  	[sflag:s30] =	ssyncset.done $0x0  }
0xa4: {  	s11 =	rddreg [dreg:$0x9];
	[sflag:s30] =	ssyncadd.s32 $0xFFFFFFE0  }
0xa5: {  	[tilespmem:s0], [sflag:$0x8] =	stream.linear.gather [hbm4b:s11+s4], $0x20, $0x38;
	[tilespmem:$0x1A080] =	vst v63  }
0xa6: {  	_ =	swait.ge [sflag:s30], $0x20  }
0xa7: {  	[sflag:s30] =	ssyncset.done $0x0  }
0xa8: {  	[sflag:s30] =	ssyncadd.s32 $0xFFFFFFE0  }
0xa9: {  	[tilespmem:s6], [sflag:$0x2] =	stream.indirect.gather [hbm4b:s2+s5], $0x40, s23, s5, $0xb8;
	[tilespmem:$0x1A080] =	vst v63  }
0xaa: {  	_ =	swait.ge [sflag:s22], $0x800  }
0xab: {  	[sflag:s22] =	ssyncset.done $0x0  }
0xac: {  	[sflag:s22] =	ssyncadd.s32 $0xFFFFF800  }
0xad: {  	[spmem:s3] =	stream.indirect.scatter.add.f32 [tilespmem:s6], [sflag:$0x8], $0x40, s0, s5, $0xb8;
	[tilespmem:$0x1A080] =	vst v63  }
0xae: {  	_ =	swait.ge [sflag:s30], $0x800  }
0xaf: {  	s7 =	sadd.s32 $0x1, s7;
	[sflag:s30] =	ssyncset.done $0x0  }
0xb0: {  	s9 =	simm.s32 @p0 $0x10;
	s8 =	simm.s32 @p0 $0x1;
	[sflag:s30] =	ssyncadd.s32 $0xFFFFF800  }
0xb1: {  	s10 =	simm.s32 @p0 $0x8;
	s11 =	simm.s32 @p0 $0x1FC8;
	[bflag:$0x0] =	sbarrier.arrive $0xFFFF  }
0xb2: {  	[hbm:s12@s9], [sflag:s11] =	dma.strided @p0 [spmem:s15@s10], $0x1400, s8, $0x8   }
0xb3: {  	p1 =	sne.s32 s7, s13;
	s8 =	simm.s32 @!p0 $0x1;
	_ =	swait.ge @p0 [sflag:s10], $0x1400  }
0xb4: {  	s9 =	simm.s32 @!p0 $0x10;
	[sflag:s10] =	ssyncset.done @p0 $0x0;
	s11 =	rddreg [dreg:$0xa]  }
.Ltmp1:
0xb5: {  	[sflag:s10] =	ssyncadd.s32 @p0 $0xFFFFEC00;
	s10 =	simm.s32 @!p0 $0x8;
	(pc) =	sbr.rel @p1 .LBB2_1-.Ltmp1, $4  }
0xb6: {  	[hbm:s11@s9], [sflag:s16] =	dma.strided @!p0 [spmem:s25@s10], $0x1380, s8, $0x8   }
0xb7: {  	_ =	swait.ge @!p0 [sflag:s10], $0x1380  }
0xb8: {  	[sflag:s10] =	ssyncset.done @!p0 $0x0  }
0xb9: {  	[sflag:s10] =	ssyncadd.s32 @!p0 $0xFFFFEC80  }
0xba: {  	_ =	sfence.sel $0x180000  }
0xbb: {  	[bflag:$0x0] =	sbarrier.arrive $0xFFFF  }
0xbc: {  	_ =	strace $0x90000047  }
0xbd: {  	s0 =	stileid.u32;
	[bflag:$0x2] =	sbarrier.arrive $0xFFFF  }
0xbe: {  	p0 =	sne.s32 s0, $0x0;
	s0 =	rddreg [dreg:$0x3]  }
0xbf: {  	s0 =	sadd.s32 @!p0 $0x100000, s0  }
0xc0: {  	[sflag:s0] =	ssyncadd.tile.s32 @!p0 $0x1;
	_ =	shalt  }
.Lfunc_end2:
_tile_overlayer_lowered:
.L_overlay_start_2:
0xc1: {  	(tag) =	ssettag $0x2  }
0xc2: {  	s0 =	rddreg [dreg:$0x0];
	s2 =	stileid.u32  }
0xc3: {  	s1 =	rddreg [dreg:$0x1];
	p0 =	sne.s32 s2, $0x0  }
0xc4: {  	s3 =	rddreg [dreg:$0x2];
	[bflag:$0x3] =	sbarrier.arrive $0xFFFF;
	s2 =	simm.s32 @!p0 $0x1C08  }
0xc5: {  	[timem:s3], [sflag:s2] =	dma.local @!p0 [hbm:s0], s1  }
0xc6: {  	s0 =	simm.s32 @!p0 $0x8  }
0xc7: {  	_ =	swait.ge @!p0 [sflag:s0], s1  }
0xc8: {  	s1 =	ssub.s32 @!p0 $0x0, s1;
	[sflag:s0] =	ssyncset.done @!p0 $0x0  }
0xc9: {  	[sflag:s0] =	ssyncadd.s32 @!p0 s1  }
0xca: {  	[bflag:$0x3] =	sbarrier.arrive $0xFFFF  }
0xcb: {  	_ =	shalt  }

// kernel: kernel.9.cloned.1.call-start
scs
__scs_entry_jumppad:
0x0: {  	(pc) =	sbr.rel $0x88, $3  }
0x1: {  	(tag) =	ssettag $0x0;
	lr =	simm.s32 $0x1  }
0x2: {  	[smem:$0x3F95] =	sst lr;
	_ =	strace $0xD0000000  }
0x3: {  	_ = 	snop  }
0x4: {  	_ = 	snop  }
0x5: {  	_ = 	snop  }
0x6: {  	_ = 	snop  }
0x7: {  	_ = 	snop  }
__scs_overlays_trampoline_lowered:
0x8: {  	[smem:$0x3FA4] =	sst s0  }
0x9: {  	[smem:$0x3FA5] =	sst s1  }
0xa: {  	[smem:$0x3FA6] =	sst s2  }
0xb: {  	[smem:$0x3FA7] =	sst s3  }
0xc: {  	[smem:$0x3FA8] =	sst s4  }
0xd: {  	[smem:$0x3FA9] =	sst s5  }
0xe: {  	[smem:$0x3FAA] =	sst s6  }
0xf: {  	[smem:$0x3FAB] =	sst s7  }
0x10: {  	[smem:$0x3FAC] =	sst s8  }
0x11: {  	[smem:$0x3FAD] =	sst s9;
	s0 =	simm.s32 @!p0 $0x0  }
0x12: {  	s1 =	sld [smem:$0x3F93];
	s0 =	simm.s32 @p0 $0x1  }
0x13: {  	[smem:$0x3FAE] =	sst s0;
	s0 =	simm.s32 @!p1 $0x0  }
0x14: {  	s2 =	sld [smem:$0x3F92];
	s0 =	simm.s32 @p1 $0x1  }
0x15: {  	[smem:$0x3FAF] =	sst s0;
	s0 =	simm.s32 @!p2 $0x0  }
0x16: {  	s3 =	sld [smem:$0x3FDB];
	s0 =	simm.s32 @p2 $0x1  }
0x17: {  	s4 =	simm.s32 $0x1BF5;
	[smem:$0x3FB1] =	sst s0  }
0x18: {  	s0 =	sld [smem:$0x3F94];
	_ =	swait.ge [sflag:s4], $0x0  }
0x19: {  	s7 =	sld [smem:$0x3F95]  }
0x1a: {  	s8 =	sadd.s32 $0xFFFFE003, lr  }
0x1b: {  	s9 =	sadd.s32 $0xFFFFFEF7, lr;
	s5 =	simm.s32 $0xFFFFFFFF;
	p2 =	slt.u32 s8, $0xFFFFF086  }
0x1c: {  	p1 =	slt.u32 s9, $0xF7A;
	s5 =	simm.s32 @!p2 $0x0  }
0x1d: {  	s5 =	simm.s32 @p1 $0x1;
	p0 =	seq.s32 s7, s2  }
0x1e: {  	s7 =	smul.u32 @!p0 $0xF7A, s2;
	p2 =	seq.s32 @!p0 s5, $0x0  }
0x1f: {  	s9 =	smul.u32 $0xF7A, s1;
	s8 =	simm.s32 @!p0 $0x1BF5;
	p2 =	por !p2, p0  }
0x20: {  	[sflag:s8] =	ssyncset.s32 @!p0 $0xFFFFF086;
	s6 =	sadd.s32 @!p0 s3, s7;
	s7 =	simm.s32 @!p0 $0x108  }
0x21: {  	s3 =	sadd.s32 s3, s9;
	s6 =	sadd.s32 @!p0 $0x88, s6;
	s7 =	simm.s32 @p2 $0x1082  }
0x22: {  	[simem:s7], [sflag:s8] =	dma.local @!p0 [hbm:s6], $0xF7A  }
0x23: {  	s9 =	sor.u32 $0xD0000000, s2;
	s6 =	simm.s32 $0x108;
	_ =	swait.ge @!p0 [sflag:s8], $0x0  }
0x24: {  	s3 =	sadd.s32 $0x88, s3;
	s6 =	simm.s32 @!p1 $0x1082;
	[sflag:s4] =	ssyncset.s32 $0xFFFFF086  }
0x25: {  	[simem:s6], [sflag:s4] =	dma.local [hbm:s3], $0xF7A  }
0x26: {  	[smem:$0x3F95] =	sst s1;
	(tag) =	ssettag s2;
	_ =	strace s9  }
0x27: {  	s1 =	sld [smem:$0x3FA5]  }
0x28: {  	s2 =	sld [smem:$0x3FA6]  }
0x29: {  	s4 =	sld [smem:$0x3FA8]  }
0x2a: {  	p0 =	seq.s32 s5, $0x0;
	s5 =	sld [smem:$0x3FA9]  }
0x2b: {  	s6 =	sld [smem:$0x3FAA]  }
0x2c: {  	s7 =	sld [smem:$0x3FAB]  }
0x2d: {  	s3 =	simm.s32 $0x108;
	s8 =	sld [smem:$0x3FAC]  }
0x2e: {  	s3 =	simm.s32 @!p0 $0x1082;
	s9 =	sld [smem:$0x3FAD]  }
0x2f: {  	lr =	sadd.s32 s0, s3;
	s0 =	sld [smem:$0x3FA4]  }
0x30: {  	s3 =	sld [smem:$0x3FA7]  }
0x31: {  	[smem:$0x3FB0] =	sst s10  }
0x32: {  	s10 =	sld [smem:$0x3FAE];
	_ =	sdelay $0x3  }
0x33: {  	p0 =	seq.s32 s10, $0x1;
	s10 =	sld [smem:$0x3FB0];
	_ =	sdelay $0x3  }
0x34: {  	[smem:$0x3FB0] =	sst s10  }
0x35: {  	s10 =	sld [smem:$0x3FAF];
	_ =	sdelay $0x3  }
0x36: {  	p1 =	seq.s32 s10, $0x1;
	s10 =	sld [smem:$0x3FB0];
	_ =	sdelay $0x3  }
0x37: {  	[smem:$0x3FB0] =	sst s10  }
0x38: {  	s10 =	sld [smem:$0x3FB1]  }
0x39: {  	_ = 	snop;
	(pc) =	sbr.ind lr, $3  }
0x3a: {  	_ = 	snop  }
0x3b: {  	_ = 	snop  }
0x3c: {  	p2 =	seq.s32 s10, $0x1;
	s10 =	sld [smem:$0x3FB0]  }
0x3d: {  	_ =	shalt  }
0x3e: {  	_ =	shalt  }
0x3f: {  	_ =	shalt  }
0x40: {  	_ =	shalt  }
0x41: {  	_ =	shalt  }
0x42: {  	_ =	shalt  }
0x43: {  	_ =	shalt  }
0x44: {  	_ =	shalt  }
0x45: {  	_ =	shalt  }
0x46: {  	_ =	shalt  }
0x47: {  	_ =	shalt  }
0x48: {  	_ =	shalt  }
0x49: {  	_ =	shalt  }
0x4a: {  	_ =	shalt  }
0x4b: {  	_ =	shalt  }
0x4c: {  	_ =	shalt  }
0x4d: {  	_ =	shalt  }
0x4e: {  	_ =	shalt  }
0x4f: {  	_ =	shalt  }
0x50: {  	_ =	shalt  }
0x51: {  	_ =	shalt  }
0x52: {  	_ =	shalt  }
0x53: {  	_ =	shalt  }
0x54: {  	_ =	shalt  }
0x55: {  	_ =	shalt  }
0x56: {  	_ =	shalt  }
0x57: {  	_ =	shalt  }
0x58: {  	_ =	shalt  }
0x59: {  	_ =	shalt  }
0x5a: {  	_ =	shalt  }
0x5b: {  	_ =	shalt  }
0x5c: {  	_ =	shalt  }
0x5d: {  	_ =	shalt  }
0x5e: {  	_ =	shalt  }
0x5f: {  	_ =	shalt  }
0x60: {  	_ =	shalt  }
0x61: {  	_ =	shalt  }
0x62: {  	_ =	shalt  }
0x63: {  	_ =	shalt  }
0x64: {  	_ =	shalt  }
0x65: {  	_ =	shalt  }
0x66: {  	_ =	shalt  }
0x67: {  	_ =	shalt  }
0x68: {  	_ =	shalt  }
0x69: {  	_ =	shalt  }
0x6a: {  	_ =	shalt  }
0x6b: {  	_ =	shalt  }
0x6c: {  	_ =	shalt  }
0x6d: {  	_ =	shalt  }
0x6e: {  	_ =	shalt  }
0x6f: {  	_ =	shalt  }
0x70: {  	_ =	shalt  }
0x71: {  	_ =	shalt  }
0x72: {  	_ =	shalt  }
0x73: {  	_ =	shalt  }
0x74: {  	_ =	shalt  }
0x75: {  	_ =	shalt  }
0x76: {  	_ =	shalt  }
0x77: {  	_ =	shalt  }
0x78: {  	_ =	shalt  }
0x79: {  	_ =	shalt  }
0x7a: {  	_ =	shalt  }
0x7b: {  	_ =	shalt  }
0x7c: {  	_ =	shalt  }
0x7d: {  	_ =	shalt  }
0x7e: {  	_ =	shalt  }
0x7f: {  	_ =	shalt  }
0x80: {  	_ =	shalt  }
0x81: {  	_ =	shalt  }
0x82: {  	_ =	shalt  }
0x83: {  	_ =	shalt  }
0x84: {  	_ =	shalt  }
0x85: {  	_ =	shalt  }
0x86: {  	_ =	shalt  }
0x87: {  	_ =	shalt  }
.Lfunc_end0:
.L_simem_size_0:
called_computation.1_lowered:
.L_overlay_start_0:
0x88: {  	s2 =	sld [smem:$0x3FD9]  }
0x89: {  	s3 =	sld [smem:$0x3FFE];
	_ =	sdelay $0x1  }
0x8a: {  	s1 =	srdreg.scid  }
0x8b: {  	s0 =	sand.u32 $0x1, s1  }
0x8c: {  	s16 =	sshll.u32 s0, $0xA;
	s2 =	sadd.s32 s3, s2  }
0x8d: {  	s2 =	sadd.s32 s2, s16  }
0x8e: {  	[smem:$0x3FBC] =	sst s2  }
0x8f: {  	_ = 	snop  }
0x90: {  	(tm) =	ssettm $0x1  }
0x91: {  	s17 =	sld [smem:$0x3FFB];
	_ =	sdelay $0x3  }
0x92: {  	_ =	strace s17  }
0x93: {  	s2 =	sld [smem:$0x3FFC];
	_ =	sdelay $0x3  }
0x94: {  	_ =	strace s2  }
0x95: {  	s2 =	sld [smem:$0x3FFD];
	_ =	sdelay $0x3  }
0x96: {  	_ =	strace s2  }
0x97: {  	_ =	strace $0x8FFFFFFF  }
0x98: {  	s18 =	sld [smem:$0x3FDB];
	_ =	sdelay $0x1  }
0x99: {  	s19 =	simm.s32 $_scs_section_size  }
0x9a: {  	s4 =	simm.s32 $_size__tile_overlayer_lowered;
	s5 =	simm.s32 $_tile_overlayer_lowered  }
0x9b: {  	s22 =	simm.s32 $0x1BFF;
	s21 =	sshll.u32 s5, $0x1;
	s2 =	sadd.s32 s19, s18  }
0x9c: {  	s6 =	simm.s32 $0x0;
	s20 =	sshll.u32 s4, $0x1;
	s4 =	sadd.s32 s21, s2  }
0x9d: {  	[timem:s6], [sflag:s22] =	dma.local [hbm:s4], s20  }
0x9e: {  	_ =	swait.ge [sflag:s22], s20  }
0x9f: {  	s3 =	ssub.s32 $0x0, s20;
	[sflag:s22] =	ssyncset.done $0x0  }
0xa0: {  	[sflag:s22] =	ssyncadd.s32 s3;
	_ =	sdelay $0x1  }
0xa1: {  	s23 =	simm.s32 $0x1B8B  }
0xa2: {  	_ =	swait.ge [sflag:s23], $0x1  }
0xa3: {  	[sflag:s23] =	ssyncset.done $0x0  }
0xa4: {  	s25 =	simm.s32 $0x1B8E;
	s24 =	sld [smem:$0x3FFE];
	[sflag:s23] =	ssyncadd.s32 $0xFFFFFFFF  }
0xa5: {  	s26 =	simm.s32 $execute0_lowered;
	[smem:$0x3FD2] =	sst s25  }
0xa6: {  	s4 =	sshll.u32 s26, $0x1;
	_ =	strace $0x80000049;
	[dreg:$0x1] =	wrdreg $0xFFFFFFFF  }
0xa7: {  	s28 =	simm.s32 $_size_execute0_lowered;
	s2 =	sadd.s32 s2, s4;
	[dreg:$0x0] =	wrdreg $0x0  }
0xa8: {  	s4 =	sshll.u32 s28, $0x1;
	[dreg:$0x2] =	wrdreg s2  }
0xa9: {  	[dreg:$0x3] =	wrdreg s4  }
0xaa: {  	[dreg:$0x4] =	wrdreg $0xC0  }
0xab: {  	_ =	task [dreg:s6], $0x5FFFF  }
0xac: {  	[dreg:$0x1] =	wrdreg $0xFFFFFFFF  }
0xad: {  	[dreg:$0x0] =	wrdreg $0x60  }
0xae: {  	[dreg:$0x2] =	wrdreg s24  }
0xaf: {  	[dreg:$0x3] =	wrdreg $0xB0200  }
0xb0: {  	[dreg:$0x4] =	wrdreg $0x9  }
0xb1: {  	_ =	task.clear_ibuf [dreg:s6], $0x5FFFF;
	_ =	strace $0x90000049  }
0xb2: {  	s29 =	simm.s32 $0x9;
	_ =	strace $0x8000004B  }
0xb3: {  	_ =	swait.ge [sflag:s29], $0x1  }
0xb4: {  	[sflag:s29] =	ssyncadd.s32 $0xFFFFFFFF  }
0xb5: {  	_ =	strace $0x9000004B  }
0xb6: {  	_ =	sfence  }
0xb7: {  	s30 =	sld [smem:$0x0];
	_ =	sdelay $0x2  }
0xb8: {  	s31 =	sshll.u32 s1, $0xD;
	s1 =	sshrl.u32 s1, $0x2  }
0xb9: {  	s3 =	sand.u32 $0x4000, s31;
	s1 =	sadd.s32 s1, s30  }
0xba: {  	s0 =	sor.u32 s3, s0;
	s1 =	sshll.u32 s1, $0x11  }
0xbb: {  	s0 =	sor.u32 s1, s0  }
0xbc: {  	s0 =	sadd.s32 $0x8F2B, s0  }
0xbd: {  	[sflag:s0] =	ssyncadd.remote.s32 $0x1  }
0xbe: {  	_ =	sfence.sel $0xFFFF  }
0xbf: {  	[dreg:$0x0] =	wrdreg $0xFFFFFFFF;
	(pc) =	sbr.abs _section_cstart, $3  }
0xc0: {  	[dreg:$0x1] =	wrdreg $0xFFFFFFFF  }
0xc1: {  	_ =	task.clear_ibuf [dreg:s6], $0x2FFFF;
	_ =	strace $0x9FFFFFFF  }
0xc2: {  	(tm) =	ssettm $0x7FFFFFFF  }
0xc3: {  	_ =	shalt  }
tec
execute0_lowered:
.L_overlay_start_1:
0x0: {  	(tag) =	ssettag $0x1  }
0x1: {  	s0 =	srdreg.scid;
	s1 =	rddreg [dreg:$0x0]  }
0x2: {  	s11 =	stileid.u32;
	s2 =	rddreg [dreg:$0x1]  }
0x3: {  	s14 =	simm.s32 $0x2700;
	s18 =	simm.s32 $0x1;
	s28 =	simm.s32 $0x5  }
0x4: {  	s31 =	simm.s32 $0x4;
	s29 =	simm.s32 $0x7;
	s30 =	simm.s32 $0x8  }
0x5: {  	s0 =	sand.u32 $0x1, s0;
	s7 =	smul.u32 $0x4E00, s11;
	s4 =	sadd.s32 $0x15C00, s1  }
0x6: {  	s12 =	sadd.s32 $0x29800, s1;
	s21 =	smul.u32 $0x13800, s11;
	s22 =	sadd.s32 $0x28C40, s1  }
0x7: {  	p0 =	seq.s32 s11, $0xF;
	s3 =	sshll.u32 s0, $0x4;
	s9 =	ssub.s32 $0x2, s0  }
0x8: {  	s23 =	sshll.u32 s0, $0x5;
	s0 =	sshll.u32 s0, $0x2;
	s5 =	sor.u32 s11, s3  }
0x9: {  	s3 =	simm.s32 $0x0;
	s8 =	sshrl.u32 s7, $0x3;
	s10 =	sshrl.u32 s9, $0x1  }
0xa: {  	s25 =	sor.u32 s23, s21;
	s26 =	sshrl.u32 s21, $0x2;
	s0 =	sadd.s32 s0, s12  }
0xb: {  	s21 =	simm.s32 $0x6E00;
	s23 =	simm.s32 $0xAE00;
	s6 =	smul.u32 $0x4E0, s5  }
0xc: {  	[smem:$0x7FF] =	sst s3;
	s8 =	sadd.s32 s8, s1;
	s13 =	ssub.s32 s9, s10  }
0xd: {  	s5 =	smul.u32 $0x2710, s5;
	_ =	strace $0x8000004A;
	s20 =	sadd.s32 $0x1FA00, s8  }
0xe: {  	[dreg:$0x6] =	wrdreg s22;
	s13 =	smax.u32 s13, $0x1;
	s22 =	simm.s32 $0x2  }
0xf: {  	s6 =	sadd.s32 s6, s1;
	[dreg:$0x5] =	wrdreg s20;
	s5 =	sshrl.u32 s5, $0x3  }
0x10: {  	s20 =	simm.s32 $0x4E00;
	s19 =	sadd.s32 $0x8B200, s6;
	s6 =	sadd.s32 $0x81600, s6  }
0x11: {  	s1 =	sadd.s32 s1, s5;
	s5 =	simm.s32 $0x10;
	[dreg:$0x3] =	wrdreg s19  }
0x12: {  	[dreg:$0x4] =	wrdreg s6;
	s6 =	sadd.s32 s7, s2;
	s24 =	sadd.s32 $0xC2E0, s1  }
0x13: {  	s7 =	sadd.s32 $0x49200, s2;
	s1 =	sadd.s32 $0x24E0, s1;
	[dreg:$0x7] =	wrdreg s24  }
0x14: {  	s19 =	simm.s32 $0x100;
	[dreg:$0x8] =	wrdreg s1;
	s1 =	sshrl.u32 s25, $0x3  }
0x15: {  	s15 =	sshrl.u32 @p0 s7, $0x3;
	s17 =	sshrl.u32 @!p0 s6, $0x3;
	s24 =	simm.s32 $0x8E00  }
0x16: {  	s6 =	simm.s32 $0xAE20;
	s7 =	simm.s32 $0x0;
	s1 =	sadd.s32 s12, s1  }
0x17: {  	s12 =	sadd.s32 $0x24900, s0;
	s0 =	sshll.u32 @!p0 s11, $0x6;
	[dreg:$0x9] =	wrdreg s1  }
0x18: {  	s1 =	sadd.s32 s26, s2;
	s16 =	sor.u32 @!p0 $0x1C08, s0;
	s26 =	simm.s32 $0x3  }
0x19: {  	s0 =	simm.s32 $0xAE10;
	s25 =	sshrl.u32 @!p0 s1, $0x3;
	s1 =	simm.s32 $0x6  }
.LBB2_1:
0x1a: {  	s8 =	rddreg [dreg:$0x3]  }
0x1b: {  	s10 =	rddreg [dreg:$0x4]  }
0x1c: {  	[tilespmem:s3], [sflag:$0x1] =	stream.linear.gather [hbm4b:s8+s3], $0x2700, $0x38;
	[tilespmem:$0xFE40] =	vst v63  }
0x1d: {  	s9 =	rddreg [dreg:$0x6];
	s8 =	simm.s32 @p0 $0x1FC8  }
0x1e: {  	[tilespmem:s14], [sflag:$0x1] =	stream.linear.gather [hbm4b:s10+s3], $0x2700, $0x38;
	[tilespmem:$0xFE40] =	vst v63  }
0x1f: {  	[spmem:s15], [sflag:s8] =	dma.local @p0 [hbm:s9], $0xA00  }
0x20: {  	s8 =	simm.s32 @p0 $0x8  }
0x21: {  	_ =	swait.ge @p0 [sflag:s8], $0xA00  }
0x22: {  	[sflag:s8] =	ssyncset.done @p0 $0x0  }
0x23: {  	[sflag:s8] =	ssyncadd.s32 @p0 $0xFFFFF600;
	s8 =	rddreg [dreg:$0x5]  }
0x24: {  	[spmem:s17], [sflag:s16] =	dma.local @!p0 [hbm:s8], $0x9C0  }
0x25: {  	s8 =	simm.s32 @!p0 $0x8  }
0x26: {  	_ =	swait.ge @!p0 [sflag:s8], $0x9C0  }
0x27: {  	[sflag:s8] =	ssyncset.done @!p0 $0x0  }
0x28: {  	[sflag:s8] =	ssyncadd.s32 @!p0 $0xFFFFF640  }
0x29: {  	[bflag:$0x0] =	sbarrier.arrive $0xFFFF  }
0x2a: {  	_ =	swait.ge [sflag:s18], $0x2700  }
0x2b: {  	[sflag:s18] =	ssyncset.done $0x0  }
0x2c: {  	[sflag:s18] =	ssyncadd.s32 $0xFFFFD900  }
0x2d: {  	_ =	swait.ge [sflag:s18], $0x2700  }
0x2e: {  	[sflag:s18] =	ssyncset.done $0x0  }
0x2f: {  	[sflag:s18] =	ssyncadd.s32 $0xFFFFD900  }
0x30: {  	[tilespmem:s20], [sflag:$0x2] =	stream.indirect.gather [hbm4b:s4+s19], $0x20, s3, s19, $0xb8;
	[tilespmem:$0xFE40] =	vst v63  }
0x31: {  	_ = 	snop  }
0x32: {  	[tilespmem:s21], [sflag:$0x3] =	stream.indirect.gather [hbm4b:s4+s19], $0x20, s19, s19, $0xb8;
	[tilespmem:$0xFE40] =	vst v63  }
0x33: {  	_ =	swait.ge [sflag:s22], $0x2000  }
0x34: {  	[sflag:s22] =	ssyncset.done $0x0  }
0x35: {  	s11 =	simm.s32 $0x200;
	[sflag:s22] =	ssyncadd.s32 $0xFFFFE000  }
0x36: {  	[tilespmem:s24], [sflag:$0x4] =	stream.indirect.gather [hbm4b:s4+s19], $0x20, s11, s19, $0xb8;
	[tilespmem:$0xFE40] =	vst v63  }
0x37: {  	_ = 	snop  }
0x38: {  	[spmem:s2] =	stream.indirect.scatter.add.f32 [tilespmem:s20], [sflag:$0x5], $0x20, s14, s19, $0xb8;
	[tilespmem:$0xFE40] =	vst v63  }
0x39: {  	_ =	swait.ge [sflag:s26], $0x2000  }
0x3a: {  	[sflag:s26] =	ssyncset.done $0x0  }
0x3b: {  	[sflag:s26] =	ssyncadd.s32 $0xFFFFE000  }
0x3c: {  	_ =	swait.ge [sflag:s28], $0x2000  }
0x3d: {  	[sflag:s28] =	ssyncset.done $0x0  }
0x3e: {  	s9 =	simm.s32 $0x300;
	[sflag:s28] =	ssyncadd.s32 $0xFFFFE000  }
0x3f: {  	[tilespmem:s20], [sflag:$0x2] =	stream.indirect.gather [hbm4b:s4+s19], $0x20, s9, s19, $0xb8;
	[tilespmem:$0xFE40] =	vst v63  }
0x40: {  	s10 =	simm.s32 $0x2800  }
0x41: {  	[spmem:s2] =	stream.indirect.scatter.add.f32 [tilespmem:s21], [sflag:$0x6], $0x20, s10, s19, $0xb8;
	[tilespmem:$0xFE40] =	vst v63  }
0x42: {  	_ =	swait.ge [sflag:s31], $0x2000  }
0x43: {  	[sflag:s31] =	ssyncset.done $0x0  }
0x44: {  	[sflag:s31] =	ssyncadd.s32 $0xFFFFE000  }
0x45: {  	_ =	swait.ge [sflag:s1], $0x2000  }
0x46: {  	[sflag:s1] =	ssyncset.done $0x0  }
0x47: {  	s11 =	simm.s32 $0x400;
	[sflag:s1] =	ssyncadd.s32 $0xFFFFE000  }
0x48: {  	[tilespmem:s21], [sflag:$0x3] =	stream.indirect.gather [hbm4b:s4+s19], $0x20, s11, s19, $0xb8;
	[tilespmem:$0xFE40] =	vst v63  }
0x49: {  	s9 =	simm.s32 $0x2900  }
0x4a: {  	[spmem:s2] =	stream.indirect.scatter.add.f32 [tilespmem:s24], [sflag:$0x7], $0x20, s9, s19, $0xb8;
	[tilespmem:$0xFE40] =	vst v63  }
0x4b: {  	_ =	swait.ge [sflag:s22], $0x2000  }
0x4c: {  	[sflag:s22] =	ssyncset.done $0x0  }
0x4d: {  	[sflag:s22] =	ssyncadd.s32 $0xFFFFE000  }
0x4e: {  	_ =	swait.ge [sflag:s29], $0x2000  }
0x4f: {  	[sflag:s29] =	ssyncset.done $0x0  }
0x50: {  	s10 =	simm.s32 $0x500;
	[sflag:s29] =	ssyncadd.s32 $0xFFFFE000  }
0x51: {  	[tilespmem:s24], [sflag:$0x4] =	stream.indirect.gather [hbm4b:s4+s19], $0x20, s10, s19, $0xb8;
	[tilespmem:$0xFE40] =	vst v63  }
0x52: {  	s11 =	simm.s32 $0x2A00  }
0x53: {  	[spmem:s2] =	stream.indirect.scatter.add.f32 [tilespmem:s20], [sflag:$0x5], $0x20, s11, s19, $0xb8;
	[tilespmem:$0xFE40] =	vst v63  }
0x54: {  	_ =	swait.ge [sflag:s26], $0x2000  }
0x55: {  	[sflag:s26] =	ssyncset.done $0x0  }
0x56: {  	[sflag:s26] =	ssyncadd.s32 $0xFFFFE000  }
0x57: {  	_ =	swait.ge [sflag:s28], $0x2000  }
0x58: {  	[sflag:s28] =	ssyncset.done $0x0  }
0x59: {  	s9 =	simm.s32 $0x600;
	[sflag:s28] =	ssyncadd.s32 $0xFFFFE000  }
0x5a: {  	[tilespmem:s20], [sflag:$0x2] =	stream.indirect.gather [hbm4b:s4+s19], $0x20, s9, s19, $0xb8;
	[tilespmem:$0xFE40] =	vst v63  }
0x5b: {  	s10 =	simm.s32 $0x2B00  }
0x5c: {  	[spmem:s2] =	stream.indirect.scatter.add.f32 [tilespmem:s21], [sflag:$0x6], $0x20, s10, s19, $0xb8;
	[tilespmem:$0xFE40] =	vst v63  }
0x5d: {  	_ =	swait.ge [sflag:s31], $0x2000  }
0x5e: {  	[sflag:s31] =	ssyncset.done $0x0  }
0x5f: {  	[sflag:s31] =	ssyncadd.s32 $0xFFFFE000  }
0x60: {  	_ =	swait.ge [sflag:s1], $0x2000  }
0x61: {  	[sflag:s1] =	ssyncset.done $0x0  }
0x62: {  	s11 =	simm.s32 $0x700;
	[sflag:s1] =	ssyncadd.s32 $0xFFFFE000  }
0x63: {  	[tilespmem:s21], [sflag:$0x3] =	stream.indirect.gather [hbm4b:s4+s19], $0x20, s11, s19, $0xb8;
	[tilespmem:$0xFE40] =	vst v63  }
0x64: {  	s9 =	simm.s32 $0x2C00  }
0x65: {  	[spmem:s2] =	stream.indirect.scatter.add.f32 [tilespmem:s24], [sflag:$0x7], $0x20, s9, s19, $0xb8;
	[tilespmem:$0xFE40] =	vst v63  }
0x66: {  	_ =	swait.ge [sflag:s22], $0x2000  }
0x67: {  	[sflag:s22] =	ssyncset.done $0x0  }
0x68: {  	[sflag:s22] =	ssyncadd.s32 $0xFFFFE000  }
0x69: {  	_ =	swait.ge [sflag:s29], $0x2000  }
0x6a: {  	[sflag:s29] =	ssyncset.done $0x0  }
0x6b: {  	s10 =	simm.s32 $0x800;
	[sflag:s29] =	ssyncadd.s32 $0xFFFFE000  }
0x6c: {  	[tilespmem:s24], [sflag:$0x4] =	stream.indirect.gather [hbm4b:s4+s19], $0x20, s10, s19, $0xb8;
	[tilespmem:$0xFE40] =	vst v63  }
0x6d: {  	s11 =	simm.s32 $0x2D00  }
0x6e: {  	[spmem:s2] =	stream.indirect.scatter.add.f32 [tilespmem:s20], [sflag:$0x5], $0x20, s11, s19, $0xb8;
	[tilespmem:$0xFE40] =	vst v63  }
0x6f: {  	_ =	swait.ge [sflag:s26], $0x2000  }
0x70: {  	s8 =	simm.s32 $0xC00;
	[sflag:s26] =	ssyncset.done $0x0  }
.LBB2_2:
0x71: {  	[sflag:s26] =	ssyncadd.s32 $0xFFFFE000;
	s9 =	smov.u32 s8;
	s8 =	sadd.s32 $0xC00, s8  }
0x72: {  	p1 =	sne.s32 s8, $0x8400  }
0x73: {  	_ =	swait.ge [sflag:s28], $0x2000  }
0x74: {  	s9 =	sshra.s32 s9, $0x2;
	[sflag:s28] =	ssyncset.done $0x0  }
0x75: {  	s10 =	sadd.s32 $0x600, s9;
	[sflag:s28] =	ssyncadd.s32 $0xFFFFE000  }
0x76: {  	[tilespmem:s20], [sflag:$0x2] =	stream.indirect.gather [hbm4b:s4+s19], $0x20, s10, s19, $0xb8;
	[tilespmem:$0xFE40] =	vst v63  }
0x77: {  	s10 =	sadd.s32 $0x2B00, s9  }
0x78: {  	[spmem:s2] =	stream.indirect.scatter.add.f32 [tilespmem:s21], [sflag:$0x6], $0x20, s10, s19, $0xb8;
	[tilespmem:$0xFE40] =	vst v63  }
0x79: {  	_ =	swait.ge [sflag:s31], $0x2000  }
0x7a: {  	[sflag:s31] =	ssyncset.done $0x0  }
0x7b: {  	[sflag:s31] =	ssyncadd.s32 $0xFFFFE000  }
0x7c: {  	_ =	swait.ge [sflag:s1], $0x2000  }
0x7d: {  	[sflag:s1] =	ssyncset.done $0x0  }
0x7e: {  	s10 =	sadd.s32 $0x700, s9;
	[sflag:s1] =	ssyncadd.s32 $0xFFFFE000  }
0x7f: {  	[tilespmem:s21], [sflag:$0x3] =	stream.indirect.gather [hbm4b:s4+s19], $0x20, s10, s19, $0xb8;
	[tilespmem:$0xFE40] =	vst v63  }
0x80: {  	s10 =	sadd.s32 $0x2C00, s9  }
0x81: {  	[spmem:s2] =	stream.indirect.scatter.add.f32 [tilespmem:s24], [sflag:$0x7], $0x20, s10, s19, $0xb8;
	[tilespmem:$0xFE40] =	vst v63  }
0x82: {  	_ =	swait.ge [sflag:s22], $0x2000  }
0x83: {  	[sflag:s22] =	ssyncset.done $0x0  }
0x84: {  	[sflag:s22] =	ssyncadd.s32 $0xFFFFE000  }
0x85: {  	_ =	swait.ge [sflag:s29], $0x2000  }
0x86: {  	[sflag:s29] =	ssyncset.done $0x0  }
0x87: {  	s10 =	sadd.s32 $0x800, s9;
	[sflag:s29] =	ssyncadd.s32 $0xFFFFE000  }
0x88: {  	[tilespmem:s24], [sflag:$0x4] =	stream.indirect.gather [hbm4b:s4+s19], $0x20, s10, s19, $0xb8;
	[tilespmem:$0xFE40] =	vst v63  }
.Ltmp0:
0x89: {  	_ = 	snop;
	(pc) =	sbr.rel @p1 .LBB2_2-.Ltmp0, $4  }
0x8a: {  	s9 =	sadd.s32 $0x2D00, s9  }
0x8b: {  	[spmem:s2] =	stream.indirect.scatter.add.f32 [tilespmem:s20], [sflag:$0x5], $0x20, s9, s19, $0xb8;
	[tilespmem:$0xFE40] =	vst v63  }
0x8c: {  	_ =	swait.ge [sflag:s26], $0x2000  }
0x8d: {  	[sflag:s26] =	ssyncset.done $0x0  }
0x8e: {  	s8 =	sshra.s32 s8, $0x2  }
0x8f: {  	[sflag:s26] =	ssyncadd.s32 $0xFFFFE000;
	s9 =	sadd.s32 $0x2B00, s8  }
0x90: {  	[spmem:s2] =	stream.indirect.scatter.add.f32 [tilespmem:s21], [sflag:$0x6], $0x20, s9, s19, $0xb8;
	[tilespmem:$0xFE40] =	vst v63  }
0x91: {  	_ =	swait.ge [sflag:s31], $0x2000  }
0x92: {  	[sflag:s31] =	ssyncset.done $0x0  }
0x93: {  	s8 =	sadd.s32 $0x2C00, s8;
	[sflag:s31] =	ssyncadd.s32 $0xFFFFE000  }
0x94: {  	[spmem:s2] =	stream.indirect.scatter.add.f32 [tilespmem:s24], [sflag:$0x7], $0x20, s8, s19, $0xb8;
	[tilespmem:$0xFE40] =	vst v63  }
0x95: {  	_ =	swait.ge [sflag:s28], $0x2000  }
0x96: {  	[sflag:s28] =	ssyncset.done $0x0  }
0x97: {  	[sflag:s28] =	ssyncadd.s32 $0xFFFFE000  }
0x98: {  	_ =	swait.ge [sflag:s1], $0x2000  }
0x99: {  	[sflag:s1] =	ssyncset.done $0x0  }
0x9a: {  	[sflag:s1] =	ssyncadd.s32 $0xFFFFE000  }
0x9b: {  	_ =	swait.ge [sflag:s29], $0x2000  }
0x9c: {  	[sflag:s29] =	ssyncset.done $0x0  }
0x9d: {  	s10 =	rddreg [dreg:$0x7];
	[sflag:s29] =	ssyncadd.s32 $0xFFFFE000  }
0x9e: {  	[tilespmem:s23], [sflag:$0x8] =	stream.linear.gather [hbm4b:s10+s3], $0x10, $0x38;
	[tilespmem:$0xFE40] =	vst v63  }
0x9f: {  	_ =	swait.ge [sflag:s30], $0x10  }
0xa0: {  	[sflag:s30] =	ssyncset.done $0x0  }
0xa1: {  	s11 =	rddreg [dreg:$0x8];
	[sflag:s30] =	ssyncadd.s32 $0xFFFFFFF0  }
0xa2: {  	[tilespmem:s0], [sflag:$0x8] =	stream.linear.gather [hbm4b:s11+s3], $0x10, $0x38;
	[tilespmem:$0xFE40] =	vst v63  }
0xa3: {  	_ =	swait.ge [sflag:s30], $0x10  }
0xa4: {  	[sflag:s30] =	ssyncset.done $0x0  }
0xa5: {  	[sflag:s30] =	ssyncadd.s32 $0xFFFFFFF0  }
0xa6: {  	[tilespmem:s6], [sflag:$0x2] =	stream.indirect.gather [hbm4b:s4+s5], $0x20, s23, s5, $0xb8;
	[tilespmem:$0xFE40] =	vst v63  }
0xa7: {  	_ =	swait.ge [sflag:s22], $0x200  }
0xa8: {  	[sflag:s22] =	ssyncset.done $0x0  }
0xa9: {  	[sflag:s22] =	ssyncadd.s32 $0xFFFFFE00  }
0xaa: {  	[spmem:s2] =	stream.indirect.scatter.add.f32 [tilespmem:s6], [sflag:$0x8], $0x20, s0, s5, $0xb8;
	[tilespmem:$0xFE40] =	vst v63  }
0xab: {  	_ =	swait.ge [sflag:s30], $0x200  }
0xac: {  	[sflag:s30] =	ssyncset.done $0x0  }
0xad: {  	s9 =	simm.s32 @p0 $0x10;
	s8 =	simm.s32 @p0 $0x1;
	[sflag:s30] =	ssyncadd.s32 $0xFFFFFE00  }
0xae: {  	s10 =	simm.s32 @p0 $0x4;
	s11 =	simm.s32 @p0 $0x1FC8;
	[bflag:$0x0] =	sbarrier.arrive $0xFFFF  }
0xaf: {  	[hbm:s12@s9], [sflag:s11] =	dma.strided @p0 [spmem:s15@s10], $0xA00, s8, $0x4   }
0xb0: {  	s7 =	sadd.s32 $0x1, s7;
	s8 =	simm.s32 @p0 $0x8  }
0xb1: {  	p1 =	sne.s32 s7, s13;
	_ =	swait.ge @p0 [sflag:s8], $0xA00  }
0xb2: {  	s9 =	simm.s32 @!p0 $0x10;
	s10 =	simm.s32 @!p0 $0x4;
	[sflag:s8] =	ssyncset.done @p0 $0x0  }
0xb3: {  	s11 =	rddreg [dreg:$0x9];
	[sflag:s8] =	ssyncadd.s32 @p0 $0xFFFFF600;
	s8 =	simm.s32 @!p0 $0x1  }
0xb4: {  	[hbm:s11@s9], [sflag:s16] =	dma.strided @!p0 [spmem:s25@s10], $0x9C0, s8, $0x4   }
.Ltmp1:
0xb5: {  	_ = 	snop;
	(pc) =	sbr.rel @p1 .LBB2_1-.Ltmp1, $4  }
0xb6: {  	s8 =	simm.s32 @!p0 $0x8  }
0xb7: {  	_ =	swait.ge @!p0 [sflag:s8], $0x9C0  }
0xb8: {  	[sflag:s8] =	ssyncset.done @!p0 $0x0  }
0xb9: {  	[sflag:s8] =	ssyncadd.s32 @!p0 $0xFFFFF640  }
0xba: {  	_ =	sfence.sel $0x180000  }
0xbb: {  	[bflag:$0x0] =	sbarrier.arrive $0xFFFF  }
0xbc: {  	_ =	strace $0x9000004A  }
0xbd: {  	s0 =	stileid.u32;
	[bflag:$0x2] =	sbarrier.arrive $0xFFFF  }
0xbe: {  	p0 =	sne.s32 s0, $0x0;
	s0 =	rddreg [dreg:$0x2]  }
0xbf: {  	s0 =	sadd.s32 @!p0 $0x100000, s0  }
0xc0: {  	[sflag:s0] =	ssyncadd.tile.s32 @!p0 $0x1;
	_ =	shalt  }
.Lfunc_end2:
_tile_overlayer_lowered:
.L_overlay_start_2:
0xc1: {  	(tag) =	ssettag $0x2  }
0xc2: {  	s0 =	rddreg [dreg:$0x0];
	s2 =	stileid.u32  }
0xc3: {  	s1 =	rddreg [dreg:$0x1];
	p0 =	sne.s32 s2, $0x0  }
0xc4: {  	s3 =	rddreg [dreg:$0x2];
	[bflag:$0x3] =	sbarrier.arrive $0xFFFF;
	s2 =	simm.s32 @!p0 $0x1C08  }
0xc5: {  	[timem:s3], [sflag:s2] =	dma.local @!p0 [hbm:s0], s1  }
0xc6: {  	s0 =	simm.s32 @!p0 $0x8  }
0xc7: {  	_ =	swait.ge @!p0 [sflag:s0], s1  }
0xc8: {  	s1 =	ssub.s32 @!p0 $0x0, s1;
	[sflag:s0] =	ssyncset.done @!p0 $0x0  }
0xc9: {  	[sflag:s0] =	ssyncadd.s32 @!p0 s1  }
0xca: {  	[bflag:$0x3] =	sbarrier.arrive $0xFFFF  }
0xcb: {  	_ =	shalt  }

</sc_bundles>
